<compile_context>
chip_gen: v7x
topology: tpu7x:2x2x1
jax: 0.10.2.dev20260603
libtpu: 0.0.44.dev20260713+nightly
codegen_flags: <defaults>
</compile_context>

<pallas_src>
import functools

import jax
import jax.numpy as jnp
from jax import lax
from jax.experimental import pallas as pl
from jax.experimental.pallas import tpu as pltpu
from jax.experimental.pallas import tpu_sc as plsc

B, L, D = 16384, 50, 64
R = B * L
NC, NS = 2, 16
NW = NC * NS
ROWS_PER_W = R // NW
CHUNK = 512
SUB = 128
NSUB = CHUNK // SUB
N_CHUNKS = ROWS_PER_W // CHUNK
ROUNDS = N_CHUNKS // 2

_MESH = plsc.VectorSubcoreMesh(core_axis_name="c", subcore_axis_name="s",
                               num_cores=NC, num_subcores=NS)


_DNUMS = lax.GatherDimensionNumbers(
    offset_dims=(), collapsed_slice_dims=(0,), start_index_map=(0,))


def _lane_shuffle(x, idx):
    return lax.gather(x, idx[:, None], _DNUMS, (1,),
                      mode=lax.GatherScatterMode.PROMISE_IN_BOUNDS)


@functools.partial(
    pl.kernel,
    out_type=jax.ShapeDtypeStruct((R, D), jnp.float32),
    mesh=_MESH,
    compiler_params=pltpu.CompilerParams(use_tc_tiling_on_sc=False),
    scratch_types=[
        pltpu.VMEM((NSUB, SUB), jnp.int32),
        pltpu.VMEM((NSUB, SUB), jnp.int32),
        pltpu.VMEM((CHUNK, D), jnp.float32),
        pltpu.VMEM((CHUNK, D), jnp.float32),
        pltpu.SemaphoreType.DMA,
        pltpu.SemaphoreType.DMA,
        pltpu.SemaphoreType.DMA,
        pltpu.SemaphoreType.DMA,
    ],
)
def _gather_norm(idx_hbm, table_hbm, out_hbm,
                 idx0_v, idx1_v, rows0_v, rows1_v,
                 gsem0, gsem1, wsem0, wsem1):
    wid = lax.axis_index("s") * NC + lax.axis_index("c")
    base = wid * ROWS_PER_W
    lane = lax.iota(jnp.int32, 16)
    perms = [lane ^ sh for sh in (8, 4, 2, 1)]

    bufs = ((idx0_v, rows0_v, gsem0, wsem0),
            (idx1_v, rows1_v, gsem1, wsem1))

    def gather_descs(b):
        idx_v, rows_v, gsem, _ = bufs[b]
        return [pltpu.make_async_copy(table_hbm.at[idx_v.at[s]],
                                      rows_v.at[pl.ds(s * SUB, SUB)], gsem)
                for s in range(NSUB)]

    def issue_gather(c, b):
        idx_v = bufs[b][0]
        i0 = pl.multiple_of((base + c * CHUNK) // SUB, NSUB)
        pltpu.sync_copy(idx_hbm.at[pl.ds(i0, NSUB)], idx_v)
        for d in gather_descs(b):
            d.start()

    def wait_gather(b):
        for d in gather_descs(b):
            d.wait()

    def wb_desc(c, b):
        _, rows_v, _, wsem = bufs[b]
        row0 = pl.multiple_of(base + c * CHUNK, CHUNK)
        return pltpu.make_async_copy(rows_v,
                                     out_hbm.at[pl.ds(row0, CHUNK)], wsem)

    def compute(b):
        rows_v = bufs[b][1]

        @plsc.parallel_loop(0, CHUNK, unroll=16,
                            carry=jnp.zeros((16,), jnp.float32))
        def _scan(i, mx):
            v0 = rows_v[i, pl.ds(0, 16)]
            v1 = rows_v[i, pl.ds(16, 16)]
            v2 = rows_v[i, pl.ds(32, 16)]
            v3 = rows_v[i, pl.ds(48, 16)]
            ss = v0 * v0 + v1 * v1 + v2 * v2 + v3 * v3
            for p in perms:
                ss = ss + _lane_shuffle(ss, p)
            return jnp.maximum(mx, ss)

        @pl.when(jnp.squeeze(lax.slice(_scan, (0,), (1,))) > 1.0)
        def _rescale():
            @plsc.parallel_loop(0, CHUNK, unroll=8)
            def _row(i):
                v0 = rows_v[i, pl.ds(0, 16)]
                v1 = rows_v[i, pl.ds(16, 16)]
                v2 = rows_v[i, pl.ds(32, 16)]
                v3 = rows_v[i, pl.ds(48, 16)]
                ss = v0 * v0 + v1 * v1 + v2 * v2 + v3 * v3
                for p in perms:
                    ss = ss + _lane_shuffle(ss, p)
                seed = jnp.int32(0x5F3759DF) - jnp.right_shift(
                    lax.bitcast_convert_type(ss, jnp.int32), 1)
                y = lax.bitcast_convert_type(seed, jnp.float32)
                h = ss * 0.5
                y = y * (1.5 - h * y * y)
                y = y * (1.5 - h * y * y)
                scale = jnp.where(ss > 1.0, y, jnp.float32(1.0))
                rows_v[i, pl.ds(0, 16)] = v0 * scale
                rows_v[i, pl.ds(16, 16)] = v1 * scale
                rows_v[i, pl.ds(32, 16)] = v2 * scale
                rows_v[i, pl.ds(48, 16)] = v3 * scale

    issue_gather(0, 0)

    @pl.loop(0, ROUNDS)
    def _round(r):
        ca = 2 * r
        cb = 2 * r + 1

        wait_gather(0)

        @pl.when(r > 0)
        def _():
            wb_desc(ca - 1, 1).wait()

        issue_gather(cb, 1)
        compute(0)
        wb_desc(ca, 0).start()
        wait_gather(1)
        wb_desc(ca, 0).wait()

        @pl.when(r < ROUNDS - 1)
        def _():
            issue_gather(ca + 2, 0)

        compute(1)
        wb_desc(cb, 1).start()

    wb_desc(N_CHUNKS - 1, 1).wait()


def kernel(indices, table):
    idx = indices.reshape(R // SUB, SUB).astype(jnp.int32)
    out = _gather_norm(idx, table)
    return out.reshape(B, L, D)

# --- scband reference (transcript-rebuilt; emitter-appended) ---
"""Pipeline reference for scband-answer-space-model-23210003268275 (READ-ONLY COPY).

The authoritative reference and input builder live on the scoring server;
editing this copy changes nothing except your own understanding.
"""

import jax, jax.numpy as jnp
import numpy as np

NUM_EMBEDDINGS = 1000000
EMBED_DIM = 64
BATCH = 16384
HIST = 50
MAX_NORM = 1.0


def setup_inputs(seed: int = 0) -> dict:
    key = jax.random.key(seed)
    k1, k2 = jax.random.split(key)
    indices = jax.random.randint(k1, (BATCH, HIST), 0, NUM_EMBEDDINGS, dtype=jnp.int64 if jax.config.jax_enable_x64 else jnp.int32)
    table = jax.random.normal(k2, (NUM_EMBEDDINGS, EMBED_DIM), dtype=jnp.float32) * 0.05
    return {"indices": indices, "table": table}


def reference(indices, table):
    # Faithful to nn.Embedding(num_nodes, embed_dim, max_norm=1):
    # gather rows, then renormalize gathered rows whose L2 norm exceeds max_norm.
    gathered = jnp.take(table, indices, axis=0)  # [B, L, D]
    norms = jnp.linalg.norm(gathered, axis=-1, keepdims=True)
    scale = jnp.where(norms > MAX_NORM, MAX_NORM / (norms + 1e-7), 1.0)
    return gathered * scale

if __name__ == "__main__":
    import jax
    _d = setup_inputs()
    print(jax.jit(kernel)(*tuple(_d.values())))

</pallas_src>

<mosaic_0001>
#map = affine_map<(d0, d1) -> (0, 0)>
module attributes {stable_mosaic.version = 14 : i64} {
  func.func @_gather_norm(%arg0: i32, %arg1: i32, %arg2: memref<6400x128xi32, #tpu.memory_space<hbm>>, %arg3: memref<1000000x64xf32, #tpu.memory_space<hbm>>, %arg4: memref<819200x64xf32, #tpu.memory_space<hbm>>, %arg5: memref<4x128xi32, #tpu.memory_space<vmem>>, %arg6: memref<4x128xi32, #tpu.memory_space<vmem>>, %arg7: memref<512x64xf32, #tpu.memory_space<vmem>>, %arg8: memref<512x64xf32, #tpu.memory_space<vmem>>, %arg9: memref<!tpu.dma_semaphore, #tpu.memory_space<semaphore_mem>>, %arg10: memref<!tpu.dma_semaphore, #tpu.memory_space<semaphore_mem>>, %arg11: memref<!tpu.dma_semaphore, #tpu.memory_space<semaphore_mem>>, %arg12: memref<!tpu.dma_semaphore, #tpu.memory_space<semaphore_mem>>) attributes {dimension_semantics = [#tpu.dimension_semantics<core_parallel>, #tpu.dimension_semantics<subcore_parallel>], iteration_bounds = array<i64: 2, 16>, scalar_prefetch = 0 : i64, scratch_operands = 8 : i64, tpu.core_type = #tpu.core_type<sc_vector_subcore>, window_params = [{transform_indices = #map}, {transform_indices = #map}, {transform_indices = #map}]} {
    %mul3A = arith.constant 2 : i32
    %mul3A_0 = arith.muli %arg1, %mul3A : i32
    %add3A = arith.addi %mul3A_0, %arg0 : i32
    %mul3A_1 = arith.constant 25600 : i32
    %mul3A_2 = arith.muli %add3A, %mul3A_1 : i32
    %iota3A = tpu.iota {dimensions = array<i32: 0>} : vector<16xi32>
    %xor3A = arith.constant 8 : i32
    %xor3A_3 = vector.broadcast %xor3A : i32 to vector<16xi32>
    %xor3A_4 = arith.xori %iota3A, %xor3A_3 : vector<16xi32>
    %xor3A_5 = arith.constant 4 : i32
    %xor3A_6 = vector.broadcast %xor3A_5 : i32 to vector<16xi32>
    %xor3A_7 = arith.xori %iota3A, %xor3A_6 : vector<16xi32>
    %xor3A_8 = arith.constant 2 : i32
    %xor3A_9 = vector.broadcast %xor3A_8 : i32 to vector<16xi32>
    %xor3A_10 = arith.xori %iota3A, %xor3A_9 : vector<16xi32>
    %xor3A_11 = arith.constant 1 : i32
    %xor3A_12 = vector.broadcast %xor3A_11 : i32 to vector<16xi32>
    %xor3A_13 = arith.xori %iota3A, %xor3A_12 : vector<16xi32>
    %add3A_14 = arith.constant 0 : i32
    %add3A_15 = arith.addi %mul3A_2, %add3A_14 : i32
    %jit3A = arith.constant 128 : i32
    %div3A = arith.divsi %add3A_15, %jit3A : i32
    %sign3A = arith.constant 0 : i32
    %sign3A_16 = arith.cmpi sgt, %add3A_15, %sign3A : i32
    %sign3A_17 = arith.extui %sign3A_16 : i1 to i32
    %sign3A_18 = arith.constant 0 : i32
    %sign3A_19 = arith.cmpi slt, %add3A_15, %sign3A_18 : i32
    %sign3A_20 = arith.extui %sign3A_19 : i1 to i32
    %sign3A_21 = arith.subi %sign3A_17, %sign3A_20 : i32
    %sign3A_22 = arith.constant 0 : i32
    %sign3A_23 = arith.cmpi sgt, %jit3A, %sign3A_22 : i32
    %sign3A_24 = arith.extui %sign3A_23 : i1 to i32
    %sign3A_25 = arith.constant 0 : i32
    %sign3A_26 = arith.cmpi slt, %jit3A, %sign3A_25 : i32
    %sign3A_27 = arith.extui %sign3A_26 : i1 to i32
    %sign3A_28 = arith.subi %sign3A_24, %sign3A_27 : i32
    %ne3A = arith.cmpi ne, %sign3A_21, %sign3A_28 : i32
    %rem3A = arith.remsi %add3A_15, %jit3A : i32
    %ne3A_29 = arith.constant 0 : i32
    %ne3A_30 = arith.cmpi ne, %rem3A, %ne3A_29 : i32
    %and3A = arith.andi %ne3A, %ne3A_30 : i1
    %sub3A = arith.constant 1 : i32
    %sub3A_31 = arith.subi %div3A, %sub3A : i32
    %select_n3A = arith.select %and3A, %sub3A_31, %div3A : i32
    %multiple_of3A = tpu.assume_multiple %select_n3A, 4 : i32
    "tpu.region"() ({
      %run_scoped3A = tpu.sem_alloc : memref<!tpu.dma_semaphore, #tpu.memory_space<semaphore_mem>>
      %dma_start3A_81 = arith.constant 0 : i32
      %dma_start3A_82 = tpu.memref_slice %arg2[%multiple_of3A, %dma_start3A_81] : memref<6400x128xi32, #tpu.memory_space<hbm>> -> memref<4x128xi32, #tpu.memory_space<hbm>>
      %dma_start3A_83 = arith.constant 0 : i32
      %dma_start3A_84 = tpu.memref_slice %arg2[%multiple_of3A, %dma_start3A_83] : memref<6400x128xi32, #tpu.memory_space<hbm>> -> memref<4x128xi32, #tpu.memory_space<hbm>>
      tpu.enqueue_dma source(%dma_start3A_84 : memref<4x128xi32, #tpu.memory_space<hbm>>) target(%arg5 : memref<4x128xi32, #tpu.memory_space<vmem>>) target_semaphore(%run_scoped3A : memref<!tpu.dma_semaphore, #tpu.memory_space<semaphore_mem>>)
      %dma_wait3A_85 = arith.constant 0 : i32
      %dma_wait3A_86 = tpu.memref_slice %arg2[%multiple_of3A, %dma_wait3A_85] : memref<6400x128xi32, #tpu.memory_space<hbm>> -> memref<4x128xi32, #tpu.memory_space<hbm>>
      %dma_wait3A_87 = arith.constant 0 : i32
      %dma_wait3A_88 = tpu.memref_slice %arg2[%multiple_of3A, %dma_wait3A_87] : memref<6400x128xi32, #tpu.memory_space<hbm>> -> memref<4x128xi32, #tpu.memory_space<hbm>>
      tpu.wait_dma2 semaphore(%run_scoped3A : memref<!tpu.dma_semaphore, #tpu.memory_space<semaphore_mem>>) src(%dma_wait3A_88 : memref<4x128xi32, #tpu.memory_space<hbm>>) dst(%arg5 : memref<4x128xi32, #tpu.memory_space<vmem>>)
      tpu.yield
    }) : () -> ()
    %dma_start3A = arith.constant 0 : i32
    %dma_start3A_32 = arith.constant 0 : i32
    %dma_start3A_33 = arith.constant 0 : i32
    %dma_start3A_34 = tpu.memref_slice %arg7[%dma_start3A_32, %dma_start3A_33] : memref<512x64xf32, #tpu.memory_space<vmem>> -> memref<128x64xf32, #tpu.memory_space<vmem>>
    %dma_start3A_35 = arith.constant 0 : i32
    %dma_start3A_36 = tpu.memref_slice %arg5[%dma_start3A, %dma_start3A_35] : memref<4x128xi32, #tpu.memory_space<vmem>> -> memref<1x128xi32, #tpu.memory_space<vmem>>
    %dma_start3A_37 = tpu.memref_squeeze %dma_start3A_36 : memref<1x128xi32, #tpu.memory_space<vmem>> -> memref<128xi32, #tpu.memory_space<vmem>>
    %dma_start3A_38 = arith.constant 0 : i32
    %dma_start3A_39 = arith.constant 0 : i32
    %dma_start3A_40 = tpu.memref_slice %arg3[%dma_start3A_38, %dma_start3A_39] : memref<1000000x64xf32, #tpu.memory_space<hbm>> -> memref<1000000x64xf32, #tpu.memory_space<hbm>>
    tpu.enqueue_indirect_dma source(%dma_start3A_40 : memref<1000000x64xf32, #tpu.memory_space<hbm>>) target(%dma_start3A_34 : memref<128x64xf32, #tpu.memory_space<vmem>>) offsets(%dma_start3A_37 : memref<128xi32, #tpu.memory_space<vmem>>) semaphore(%arg9 : memref<!tpu.dma_semaphore, #tpu.memory_space<semaphore_mem>>)
    %dma_start3A_41 = arith.constant 1 : i32
    %dma_start3A_42 = arith.constant 128 : i32
    %dma_start3A_43 = arith.constant 0 : i32
    %dma_start3A_44 = tpu.memref_slice %arg7[%dma_start3A_42, %dma_start3A_43] : memref<512x64xf32, #tpu.memory_space<vmem>> -> memref<128x64xf32, #tpu.memory_space<vmem>>
    %dma_start3A_45 = arith.constant 0 : i32
    %dma_start3A_46 = tpu.memref_slice %arg5[%dma_start3A_41, %dma_start3A_45] : memref<4x128xi32, #tpu.memory_space<vmem>> -> memref<1x128xi32, #tpu.memory_space<vmem>>
    %dma_start3A_47 = tpu.memref_squeeze %dma_start3A_46 : memref<1x128xi32, #tpu.memory_space<vmem>> -> memref<128xi32, #tpu.memory_space<vmem>>
    %dma_start3A_48 = arith.constant 0 : i32
    %dma_start3A_49 = arith.constant 0 : i32
    %dma_start3A_50 = tpu.memref_slice %arg3[%dma_start3A_48, %dma_start3A_49] : memref<1000000x64xf32, #tpu.memory_space<hbm>> -> memref<1000000x64xf32, #tpu.memory_space<hbm>>
    tpu.enqueue_indirect_dma source(%dma_start3A_50 : memref<1000000x64xf32, #tpu.memory_space<hbm>>) target(%dma_start3A_44 : memref<128x64xf32, #tpu.memory_space<vmem>>) offsets(%dma_start3A_47 : memref<128xi32, #tpu.memory_space<vmem>>) semaphore(%arg9 : memref<!tpu.dma_semaphore, #tpu.memory_space<semaphore_mem>>)
    %dma_start3A_51 = arith.constant 2 : i32
    %dma_start3A_52 = arith.constant 256 : i32
    %dma_start3A_53 = arith.constant 0 : i32
    %dma_start3A_54 = tpu.memref_slice %arg7[%dma_start3A_52, %dma_start3A_53] : memref<512x64xf32, #tpu.memory_space<vmem>> -> memref<128x64xf32, #tpu.memory_space<vmem>>
    %dma_start3A_55 = arith.constant 0 : i32
    %dma_start3A_56 = tpu.memref_slice %arg5[%dma_start3A_51, %dma_start3A_55] : memref<4x128xi32, #tpu.memory_space<vmem>> -> memref<1x128xi32, #tpu.memory_space<vmem>>
    %dma_start3A_57 = tpu.memref_squeeze %dma_start3A_56 : memref<1x128xi32, #tpu.memory_space<vmem>> -> memref<128xi32, #tpu.memory_space<vmem>>
    %dma_start3A_58 = arith.constant 0 : i32
    %dma_start3A_59 = arith.constant 0 : i32
    %dma_start3A_60 = tpu.memref_slice %arg3[%dma_start3A_58, %dma_start3A_59] : memref<1000000x64xf32, #tpu.memory_space<hbm>> -> memref<1000000x64xf32, #tpu.memory_space<hbm>>
    tpu.enqueue_indirect_dma source(%dma_start3A_60 : memref<1000000x64xf32, #tpu.memory_space<hbm>>) target(%dma_start3A_54 : memref<128x64xf32, #tpu.memory_space<vmem>>) offsets(%dma_start3A_57 : memref<128xi32, #tpu.memory_space<vmem>>) semaphore(%arg9 : memref<!tpu.dma_semaphore, #tpu.memory_space<semaphore_mem>>)
    %dma_start3A_61 = arith.constant 3 : i32
    %dma_start3A_62 = arith.constant 384 : i32
    %dma_start3A_63 = arith.constant 0 : i32
    %dma_start3A_64 = tpu.memref_slice %arg7[%dma_start3A_62, %dma_start3A_63] : memref<512x64xf32, #tpu.memory_space<vmem>> -> memref<128x64xf32, #tpu.memory_space<vmem>>
    %dma_start3A_65 = arith.constant 0 : i32
    %dma_start3A_66 = tpu.memref_slice %arg5[%dma_start3A_61, %dma_start3A_65] : memref<4x128xi32, #tpu.memory_space<vmem>> -> memref<1x128xi32, #tpu.memory_space<vmem>>
    %dma_start3A_67 = tpu.memref_squeeze %dma_start3A_66 : memref<1x128xi32, #tpu.memory_space<vmem>> -> memref<128xi32, #tpu.memory_space<vmem>>
    %dma_start3A_68 = arith.constant 0 : i32
    %dma_start3A_69 = arith.constant 0 : i32
    %dma_start3A_70 = tpu.memref_slice %arg3[%dma_start3A_68, %dma_start3A_69] : memref<1000000x64xf32, #tpu.memory_space<hbm>> -> memref<1000000x64xf32, #tpu.memory_space<hbm>>
    tpu.enqueue_indirect_dma source(%dma_start3A_70 : memref<1000000x64xf32, #tpu.memory_space<hbm>>) target(%dma_start3A_64 : memref<128x64xf32, #tpu.memory_space<vmem>>) offsets(%dma_start3A_67 : memref<128xi32, #tpu.memory_space<vmem>>) semaphore(%arg9 : memref<!tpu.dma_semaphore, #tpu.memory_space<semaphore_mem>>)
    %scan3A = arith.constant 0 : i32
    %scan3A_71 = arith.constant 25 : i32
    %scan3A_72 = arith.addi %scan3A, %scan3A_71 : i32
    %scan3A_73 = arith.constant 1 : i32
    scf.for %scan3A_81 = %scan3A to %scan3A_72 step %scan3A_73  : i32 {
      %mul3A_82 = arith.constant 1 : i32
      %mul3A_83 = arith.muli %scan3A_81, %mul3A_82 : i32
      %add3A_84 = arith.constant 0 : i32
      %add3A_85 = arith.addi %add3A_84, %mul3A_83 : i32
      %mul3A_86 = arith.constant 2 : i32
      %mul3A_87 = arith.muli %mul3A_86, %add3A_85 : i32
      %mul3A_88 = arith.constant 2 : i32
      %mul3A_89 = arith.muli %mul3A_88, %add3A_85 : i32
      %add3A_90 = arith.constant 1 : i32
      %add3A_91 = arith.addi %mul3A_89, %add3A_90 : i32
      %dma_wait3A_92 = arith.constant 0 : i32
      %dma_wait3A_93 = arith.constant 0 : i32
      %dma_wait3A_94 = arith.constant 0 : i32
      %dma_wait3A_95 = tpu.memref_slice %arg7[%dma_wait3A_93, %dma_wait3A_94] : memref<512x64xf32, #tpu.memory_space<vmem>> -> memref<128x64xf32, #tpu.memory_space<vmem>>
      %dma_wait3A_96 = arith.constant 0 : i32
      %dma_wait3A_97 = tpu.memref_slice %arg5[%dma_wait3A_92, %dma_wait3A_96] : memref<4x128xi32, #tpu.memory_space<vmem>> -> memref<1x128xi32, #tpu.memory_space<vmem>>
      %dma_wait3A_98 = tpu.memref_squeeze %dma_wait3A_97 : memref<1x128xi32, #tpu.memory_space<vmem>> -> memref<128xi32, #tpu.memory_space<vmem>>
      %dma_wait3A_99 = arith.constant 0 : i32
      %dma_wait3A_100 = arith.constant 0 : i32
      %dma_wait3A_101 = tpu.memref_slice %arg3[%dma_wait3A_99, %dma_wait3A_100] : memref<1000000x64xf32, #tpu.memory_space<hbm>> -> memref<1000000x64xf32, #tpu.memory_space<hbm>>
      tpu.wait_indirect_dma semaphore(%arg9 : memref<!tpu.dma_semaphore, #tpu.memory_space<semaphore_mem>>) src(%dma_wait3A_101 : memref<1000000x64xf32, #tpu.memory_space<hbm>>) dst(%dma_wait3A_95 : memref<128x64xf32, #tpu.memory_space<vmem>>)
      %dma_wait3A_102 = arith.constant 1 : i32
      %dma_wait3A_103 = arith.constant 128 : i32
      %dma_wait3A_104 = arith.constant 0 : i32
      %dma_wait3A_105 = tpu.memref_slice %arg7[%dma_wait3A_103, %dma_wait3A_104] : memref<512x64xf32, #tpu.memory_space<vmem>> -> memref<128x64xf32, #tpu.memory_space<vmem>>
      %dma_wait3A_106 = arith.constant 0 : i32
      %dma_wait3A_107 = tpu.memref_slice %arg5[%dma_wait3A_102, %dma_wait3A_106] : memref<4x128xi32, #tpu.memory_space<vmem>> -> memref<1x128xi32, #tpu.memory_space<vmem>>
      %dma_wait3A_108 = tpu.memref_squeeze %dma_wait3A_107 : memref<1x128xi32, #tpu.memory_space<vmem>> -> memref<128xi32, #tpu.memory_space<vmem>>
      %dma_wait3A_109 = arith.constant 0 : i32
      %dma_wait3A_110 = arith.constant 0 : i32
      %dma_wait3A_111 = tpu.memref_slice %arg3[%dma_wait3A_109, %dma_wait3A_110] : memref<1000000x64xf32, #tpu.memory_space<hbm>> -> memref<1000000x64xf32, #tpu.memory_space<hbm>>
      tpu.wait_indirect_dma semaphore(%arg9 : memref<!tpu.dma_semaphore, #tpu.memory_space<semaphore_mem>>) src(%dma_wait3A_111 : memref<1000000x64xf32, #tpu.memory_space<hbm>>) dst(%dma_wait3A_105 : memref<128x64xf32, #tpu.memory_space<vmem>>)
      %dma_wait3A_112 = arith.constant 2 : i32
      %dma_wait3A_113 = arith.constant 256 : i32
      %dma_wait3A_114 = arith.constant 0 : i32
      %dma_wait3A_115 = tpu.memref_slice %arg7[%dma_wait3A_113, %dma_wait3A_114] : memref<512x64xf32, #tpu.memory_space<vmem>> -> memref<128x64xf32, #tpu.memory_space<vmem>>
      %dma_wait3A_116 = arith.constant 0 : i32
      %dma_wait3A_117 = tpu.memref_slice %arg5[%dma_wait3A_112, %dma_wait3A_116] : memref<4x128xi32, #tpu.memory_space<vmem>> -> memref<1x128xi32, #tpu.memory_space<vmem>>
      %dma_wait3A_118 = tpu.memref_squeeze %dma_wait3A_117 : memref<1x128xi32, #tpu.memory_space<vmem>> -> memref<128xi32, #tpu.memory_space<vmem>>
      %dma_wait3A_119 = arith.constant 0 : i32
      %dma_wait3A_120 = arith.constant 0 : i32
      %dma_wait3A_121 = tpu.memref_slice %arg3[%dma_wait3A_119, %dma_wait3A_120] : memref<1000000x64xf32, #tpu.memory_space<hbm>> -> memref<1000000x64xf32, #tpu.memory_space<hbm>>
      tpu.wait_indirect_dma semaphore(%arg9 : memref<!tpu.dma_semaphore, #tpu.memory_space<semaphore_mem>>) src(%dma_wait3A_121 : memref<1000000x64xf32, #tpu.memory_space<hbm>>) dst(%dma_wait3A_115 : memref<128x64xf32, #tpu.memory_space<vmem>>)
      %dma_wait3A_122 = arith.constant 3 : i32
      %dma_wait3A_123 = arith.constant 384 : i32
      %dma_wait3A_124 = arith.constant 0 : i32
      %dma_wait3A_125 = tpu.memref_slice %arg7[%dma_wait3A_123, %dma_wait3A_124] : memref<512x64xf32, #tpu.memory_space<vmem>> -> memref<128x64xf32, #tpu.memory_space<vmem>>
      %dma_wait3A_126 = arith.constant 0 : i32
      %dma_wait3A_127 = tpu.memref_slice %arg5[%dma_wait3A_122, %dma_wait3A_126] : memref<4x128xi32, #tpu.memory_space<vmem>> -> memref<1x128xi32, #tpu.memory_space<vmem>>
      %dma_wait3A_128 = tpu.memref_squeeze %dma_wait3A_127 : memref<1x128xi32, #tpu.memory_space<vmem>> -> memref<128xi32, #tpu.memory_space<vmem>>
      %dma_wait3A_129 = arith.constant 0 : i32
      %dma_wait3A_130 = arith.constant 0 : i32
      %dma_wait3A_131 = tpu.memref_slice %arg3[%dma_wait3A_129, %dma_wait3A_130] : memref<1000000x64xf32, #tpu.memory_space<hbm>> -> memref<1000000x64xf32, #tpu.memory_space<hbm>>
      tpu.wait_indirect_dma semaphore(%arg9 : memref<!tpu.dma_semaphore, #tpu.memory_space<semaphore_mem>>) src(%dma_wait3A_131 : memref<1000000x64xf32, #tpu.memory_space<hbm>>) dst(%dma_wait3A_125 : memref<128x64xf32, #tpu.memory_space<vmem>>)
      %gt3A = arith.constant 0 : i32
      %gt3A_132 = arith.cmpi sgt, %add3A_85, %gt3A : i32
      %convert_element_type3A = arith.extui %gt3A_132 : i1 to i32
      %cond3A = arith.constant 0 : i32
      %cond3A_133 = arith.cmpi ne, %convert_element_type3A, %cond3A : i32
      scf.if %cond3A_133 {
        %sub3A_292 = arith.constant 1 : i32
        %sub3A_293 = arith.subi %mul3A_87, %sub3A_292 : i32
        %mul3A_294 = arith.constant 512 : i32
        %mul3A_295 = arith.muli %sub3A_293, %mul3A_294 : i32
        %add3A_296 = arith.addi %mul3A_2, %mul3A_295 : i32
        %multiple_of3A_297 = tpu.assume_multiple %add3A_296, 512 : i32
        %dma_wait3A_298 = arith.constant 0 : i32
        %dma_wait3A_299 = tpu.memref_slice %arg4[%multiple_of3A_297, %dma_wait3A_298] : memref<819200x64xf32, #tpu.memory_space<hbm>> -> memref<512x64xf32, #tpu.memory_space<hbm>>
        %dma_wait3A_300 = arith.constant 0 : i32
        %dma_wait3A_301 = tpu.memref_slice %arg4[%multiple_of3A_297, %dma_wait3A_300] : memref<819200x64xf32, #tpu.memory_space<hbm>> -> memref<512x64xf32, #tpu.memory_space<hbm>>
        tpu.wait_dma2 semaphore(%arg12 : memref<!tpu.dma_semaphore, #tpu.memory_space<semaphore_mem>>) src(%arg8 : memref<512x64xf32, #tpu.memory_space<vmem>>) dst(%dma_wait3A_301 : memref<512x64xf32, #tpu.memory_space<hbm>>)
      } else {
      }
      %mul3A_134 = arith.constant 512 : i32
      %mul3A_135 = arith.muli %add3A_91, %mul3A_134 : i32
      %add3A_136 = arith.addi %mul3A_2, %mul3A_135 : i32
      %jit3A_137 = arith.constant 128 : i32
      %div3A_138 = arith.divsi %add3A_136, %jit3A_137 : i32
      %sign3A_139 = arith.constant 0 : i32
      %sign3A_140 = arith.cmpi sgt, %add3A_136, %sign3A_139 : i32
      %sign3A_141 = arith.extui %sign3A_140 : i1 to i32
      %sign3A_142 = arith.constant 0 : i32
      %sign3A_143 = arith.cmpi slt, %add3A_136, %sign3A_142 : i32
      %sign3A_144 = arith.extui %sign3A_143 : i1 to i32
      %sign3A_145 = arith.subi %sign3A_141, %sign3A_144 : i32
      %sign3A_146 = arith.constant 0 : i32
      %sign3A_147 = arith.cmpi sgt, %jit3A_137, %sign3A_146 : i32
      %sign3A_148 = arith.extui %sign3A_147 : i1 to i32
      %sign3A_149 = arith.constant 0 : i32
      %sign3A_150 = arith.cmpi slt, %jit3A_137, %sign3A_149 : i32
      %sign3A_151 = arith.extui %sign3A_150 : i1 to i32
      %sign3A_152 = arith.subi %sign3A_148, %sign3A_151 : i32
      %ne3A_153 = arith.cmpi ne, %sign3A_145, %sign3A_152 : i32
      %rem3A_154 = arith.remsi %add3A_136, %jit3A_137 : i32
      %ne3A_155 = arith.constant 0 : i32
      %ne3A_156 = arith.cmpi ne, %rem3A_154, %ne3A_155 : i32
      %and3A_157 = arith.andi %ne3A_153, %ne3A_156 : i1
      %sub3A_158 = arith.constant 1 : i32
      %sub3A_159 = arith.subi %div3A_138, %sub3A_158 : i32
      %select_n3A_160 = arith.select %and3A_157, %sub3A_159, %div3A_138 : i32
      %multiple_of3A_161 = tpu.assume_multiple %select_n3A_160, 4 : i32
      "tpu.region"() ({
        %run_scoped3A = tpu.sem_alloc : memref<!tpu.dma_semaphore, #tpu.memory_space<semaphore_mem>>
        %dma_start3A_292 = arith.constant 0 : i32
        %dma_start3A_293 = tpu.memref_slice %arg2[%multiple_of3A_161, %dma_start3A_292] : memref<6400x128xi32, #tpu.memory_space<hbm>> -> memref<4x128xi32, #tpu.memory_space<hbm>>
        %dma_start3A_294 = arith.constant 0 : i32
        %dma_start3A_295 = tpu.memref_slice %arg2[%multiple_of3A_161, %dma_start3A_294] : memref<6400x128xi32, #tpu.memory_space<hbm>> -> memref<4x128xi32, #tpu.memory_space<hbm>>
        tpu.enqueue_dma source(%dma_start3A_295 : memref<4x128xi32, #tpu.memory_space<hbm>>) target(%arg6 : memref<4x128xi32, #tpu.memory_space<vmem>>) target_semaphore(%run_scoped3A : memref<!tpu.dma_semaphore, #tpu.memory_space<semaphore_mem>>)
        %dma_wait3A_296 = arith.constant 0 : i32
        %dma_wait3A_297 = tpu.memref_slice %arg2[%multiple_of3A_161, %dma_wait3A_296] : memref<6400x128xi32, #tpu.memory_space<hbm>> -> memref<4x128xi32, #tpu.memory_space<hbm>>
        %dma_wait3A_298 = arith.constant 0 : i32
        %dma_wait3A_299 = tpu.memref_slice %arg2[%multiple_of3A_161, %dma_wait3A_298] : memref<6400x128xi32, #tpu.memory_space<hbm>> -> memref<4x128xi32, #tpu.memory_space<hbm>>
        tpu.wait_dma2 semaphore(%run_scoped3A : memref<!tpu.dma_semaphore, #tpu.memory_space<semaphore_mem>>) src(%dma_wait3A_299 : memref<4x128xi32, #tpu.memory_space<hbm>>) dst(%arg6 : memref<4x128xi32, #tpu.memory_space<vmem>>)
        tpu.yield
      }) : () -> ()
      %dma_start3A_162 = arith.constant 0 : i32
      %dma_start3A_163 = arith.constant 0 : i32
      %dma_start3A_164 = arith.constant 0 : i32
      %dma_start3A_165 = tpu.memref_slice %arg8[%dma_start3A_163, %dma_start3A_164] : memref<512x64xf32, #tpu.memory_space<vmem>> -> memref<128x64xf32, #tpu.memory_space<vmem>>
      %dma_start3A_166 = arith.constant 0 : i32
      %dma_start3A_167 = tpu.memref_slice %arg6[%dma_start3A_162, %dma_start3A_166] : memref<4x128xi32, #tpu.memory_space<vmem>> -> memref<1x128xi32, #tpu.memory_space<vmem>>
      %dma_start3A_168 = tpu.memref_squeeze %dma_start3A_167 : memref<1x128xi32, #tpu.memory_space<vmem>> -> memref<128xi32, #tpu.memory_space<vmem>>
      %dma_start3A_169 = arith.constant 0 : i32
      %dma_start3A_170 = arith.constant 0 : i32
      %dma_start3A_171 = tpu.memref_slice %arg3[%dma_start3A_169, %dma_start3A_170] : memref<1000000x64xf32, #tpu.memory_space<hbm>> -> memref<1000000x64xf32, #tpu.memory_space<hbm>>
      tpu.enqueue_indirect_dma source(%dma_start3A_171 : memref<1000000x64xf32, #tpu.memory_space<hbm>>) target(%dma_start3A_165 : memref<128x64xf32, #tpu.memory_space<vmem>>) offsets(%dma_start3A_168 : memref<128xi32, #tpu.memory_space<vmem>>) semaphore(%arg10 : memref<!tpu.dma_semaphore, #tpu.memory_space<semaphore_mem>>)
      %dma_start3A_172 = arith.constant 1 : i32
      %dma_start3A_173 = arith.constant 128 : i32
      %dma_start3A_174 = arith.constant 0 : i32
      %dma_start3A_175 = tpu.memref_slice %arg8[%dma_start3A_173, %dma_start3A_174] : memref<512x64xf32, #tpu.memory_space<vmem>> -> memref<128x64xf32, #tpu.memory_space<vmem>>
      %dma_start3A_176 = arith.constant 0 : i32
      %dma_start3A_177 = tpu.memref_slice %arg6[%dma_start3A_172, %dma_start3A_176] : memref<4x128xi32, #tpu.memory_space<vmem>> -> memref<1x128xi32, #tpu.memory_space<vmem>>
      %dma_start3A_178 = tpu.memref_squeeze %dma_start3A_177 : memref<1x128xi32, #tpu.memory_space<vmem>> -> memref<128xi32, #tpu.memory_space<vmem>>
      %dma_start3A_179 = arith.constant 0 : i32
      %dma_start3A_180 = arith.constant 0 : i32
      %dma_start3A_181 = tpu.memref_slice %arg3[%dma_start3A_179, %dma_start3A_180] : memref<1000000x64xf32, #tpu.memory_space<hbm>> -> memref<1000000x64xf32, #tpu.memory_space<hbm>>
      tpu.enqueue_indirect_dma source(%dma_start3A_181 : memref<1000000x64xf32, #tpu.memory_space<hbm>>) target(%dma_start3A_175 : memref<128x64xf32, #tpu.memory_space<vmem>>) offsets(%dma_start3A_178 : memref<128xi32, #tpu.memory_space<vmem>>) semaphore(%arg10 : memref<!tpu.dma_semaphore, #tpu.memory_space<semaphore_mem>>)
      %dma_start3A_182 = arith.constant 2 : i32
      %dma_start3A_183 = arith.constant 256 : i32
      %dma_start3A_184 = arith.constant 0 : i32
      %dma_start3A_185 = tpu.memref_slice %arg8[%dma_start3A_183, %dma_start3A_184] : memref<512x64xf32, #tpu.memory_space<vmem>> -> memref<128x64xf32, #tpu.memory_space<vmem>>
      %dma_start3A_186 = arith.constant 0 : i32
      %dma_start3A_187 = tpu.memref_slice %arg6[%dma_start3A_182, %dma_start3A_186] : memref<4x128xi32, #tpu.memory_space<vmem>> -> memref<1x128xi32, #tpu.memory_space<vmem>>
      %dma_start3A_188 = tpu.memref_squeeze %dma_start3A_187 : memref<1x128xi32, #tpu.memory_space<vmem>> -> memref<128xi32, #tpu.memory_space<vmem>>
      %dma_start3A_189 = arith.constant 0 : i32
      %dma_start3A_190 = arith.constant 0 : i32
      %dma_start3A_191 = tpu.memref_slice %arg3[%dma_start3A_189, %dma_start3A_190] : memref<1000000x64xf32, #tpu.memory_space<hbm>> -> memref<1000000x64xf32, #tpu.memory_space<hbm>>
      tpu.enqueue_indirect_dma source(%dma_start3A_191 : memref<1000000x64xf32, #tpu.memory_space<hbm>>) target(%dma_start3A_185 : memref<128x64xf32, #tpu.memory_space<vmem>>) offsets(%dma_start3A_188 : memref<128xi32, #tpu.memory_space<vmem>>) semaphore(%arg10 : memref<!tpu.dma_semaphore, #tpu.memory_space<semaphore_mem>>)
      %dma_start3A_192 = arith.constant 3 : i32
      %dma_start3A_193 = arith.constant 384 : i32
      %dma_start3A_194 = arith.constant 0 : i32
      %dma_start3A_195 = tpu.memref_slice %arg8[%dma_start3A_193, %dma_start3A_194] : memref<512x64xf32, #tpu.memory_space<vmem>> -> memref<128x64xf32, #tpu.memory_space<vmem>>
      %dma_start3A_196 = arith.constant 0 : i32
      %dma_start3A_197 = tpu.memref_slice %arg6[%dma_start3A_192, %dma_start3A_196] : memref<4x128xi32, #tpu.memory_space<vmem>> -> memref<1x128xi32, #tpu.memory_space<vmem>>
      %dma_start3A_198 = tpu.memref_squeeze %dma_start3A_197 : memref<1x128xi32, #tpu.memory_space<vmem>> -> memref<128xi32, #tpu.memory_space<vmem>>
      %dma_start3A_199 = arith.constant 0 : i32
      %dma_start3A_200 = arith.constant 0 : i32
      %dma_start3A_201 = tpu.memref_slice %arg3[%dma_start3A_199, %dma_start3A_200] : memref<1000000x64xf32, #tpu.memory_space<hbm>> -> memref<1000000x64xf32, #tpu.memory_space<hbm>>
      tpu.enqueue_indirect_dma source(%dma_start3A_201 : memref<1000000x64xf32, #tpu.memory_space<hbm>>) target(%dma_start3A_195 : memref<128x64xf32, #tpu.memory_space<vmem>>) offsets(%dma_start3A_198 : memref<128xi32, #tpu.memory_space<vmem>>) semaphore(%arg10 : memref<!tpu.dma_semaphore, #tpu.memory_space<semaphore_mem>>)
      %broadcast_in_dim3A = arith.constant 0.000000e+00 : f32
      %broadcast_in_dim3A_202 = vector.broadcast %broadcast_in_dim3A : f32 to vector<16xf32>
      %parallel_loop3A = arith.constant 0 : i32
      %parallel_loop3A_203 = arith.constant 512 : i32
      %parallel_loop3A_204 = arith.constant 1 : i32
      %parallel_loop3A_205 = scf.for %parallel_loop3A_292 = %parallel_loop3A to %parallel_loop3A_203 step %parallel_loop3A_204 iter_args(%parallel_loop3A_293 = %broadcast_in_dim3A_202) -> (vector<16xf32>)  : i32 {
        %parallel_loop3A_294 = arith.index_cast %parallel_loop3A_292 : i32 to index
        %parallel_loop3A_295 = arith.constant 0 : index
        %parallel_loop3A_296 = tpu.vector_load %arg7[%parallel_loop3A_294, %parallel_loop3A_295] {strides = array<i32>} : memref<512x64xf32, #tpu.memory_space<vmem>>, vector<1x16xf32>,
        %parallel_loop3A_297 = vector.shape_cast %parallel_loop3A_296 : vector<1x16xf32> to vector<16xf32>
        %parallel_loop3A_298 = arith.index_cast %parallel_loop3A_292 : i32 to index
        %parallel_loop3A_299 = arith.constant 16 : index
        %parallel_loop3A_300 = tpu.vector_load %arg7[%parallel_loop3A_298, %parallel_loop3A_299] {strides = array<i32>} : memref<512x64xf32, #tpu.memory_space<vmem>>, vector<1x16xf32>,
        %parallel_loop3A_301 = vector.shape_cast %parallel_loop3A_300 : vector<1x16xf32> to vector<16xf32>
        %parallel_loop3A_302 = arith.index_cast %parallel_loop3A_292 : i32 to index
        %parallel_loop3A_303 = arith.constant 32 : index
        %parallel_loop3A_304 = tpu.vector_load %arg7[%parallel_loop3A_302, %parallel_loop3A_303] {strides = array<i32>} : memref<512x64xf32, #tpu.memory_space<vmem>>, vector<1x16xf32>,
        %parallel_loop3A_305 = vector.shape_cast %parallel_loop3A_304 : vector<1x16xf32> to vector<16xf32>
        %parallel_loop3A_306 = arith.index_cast %parallel_loop3A_292 : i32 to index
        %parallel_loop3A_307 = arith.constant 48 : index
        %parallel_loop3A_308 = tpu.vector_load %arg7[%parallel_loop3A_306, %parallel_loop3A_307] {strides = array<i32>} : memref<512x64xf32, #tpu.memory_space<vmem>>, vector<1x16xf32>,
        %parallel_loop3A_309 = vector.shape_cast %parallel_loop3A_308 : vector<1x16xf32> to vector<16xf32>
        %parallel_loop3A_310 = arith.mulf %parallel_loop3A_297, %parallel_loop3A_297 : vector<16xf32>
        %parallel_loop3A_311 = arith.mulf %parallel_loop3A_301, %parallel_loop3A_301 : vector<16xf32>
        %parallel_loop3A_312 = arith.addf %parallel_loop3A_310, %parallel_loop3A_311 : vector<16xf32>
        %parallel_loop3A_313 = arith.mulf %parallel_loop3A_305, %parallel_loop3A_305 : vector<16xf32>
        %parallel_loop3A_314 = arith.addf %parallel_loop3A_312, %parallel_loop3A_313 : vector<16xf32>
        %parallel_loop3A_315 = arith.mulf %parallel_loop3A_309, %parallel_loop3A_309 : vector<16xf32>
        %parallel_loop3A_316 = arith.addf %parallel_loop3A_314, %parallel_loop3A_315 : vector<16xf32>
        %parallel_loop3A_317 = vector.shape_cast %xor3A_4 : vector<16xi32> to vector<16x1xi32>
        %parallel_loop3A_318 = vector.shape_cast %parallel_loop3A_317 : vector<16x1xi32> to vector<16xi32>
        %parallel_loop3A_319 = tpu.dynamic_gather %parallel_loop3A_316[%parallel_loop3A_318] in [0] : vector<16xf32>, vector<16xi32> -> vector<16xf32>
        %parallel_loop3A_320 = arith.addf %parallel_loop3A_316, %parallel_loop3A_319 : vector<16xf32>
        %parallel_loop3A_321 = vector.shape_cast %xor3A_7 : vector<16xi32> to vector<16x1xi32>
        %parallel_loop3A_322 = vector.shape_cast %parallel_loop3A_321 : vector<16x1xi32> to vector<16xi32>
        %parallel_loop3A_323 = tpu.dynamic_gather %parallel_loop3A_320[%parallel_loop3A_322] in [0] : vector<16xf32>, vector<16xi32> -> vector<16xf32>
        %parallel_loop3A_324 = arith.addf %parallel_loop3A_320, %parallel_loop3A_323 : vector<16xf32>
        %parallel_loop3A_325 = vector.shape_cast %xor3A_10 : vector<16xi32> to vector<16x1xi32>
        %parallel_loop3A_326 = vector.shape_cast %parallel_loop3A_325 : vector<16x1xi32> to vector<16xi32>
        %parallel_loop3A_327 = tpu.dynamic_gather %parallel_loop3A_324[%parallel_loop3A_326] in [0] : vector<16xf32>, vector<16xi32> -> vector<16xf32>
        %parallel_loop3A_328 = arith.addf %parallel_loop3A_324, %parallel_loop3A_327 : vector<16xf32>
        %parallel_loop3A_329 = vector.shape_cast %xor3A_13 : vector<16xi32> to vector<16x1xi32>
        %parallel_loop3A_330 = vector.shape_cast %parallel_loop3A_329 : vector<16x1xi32> to vector<16xi32>
        %parallel_loop3A_331 = tpu.dynamic_gather %parallel_loop3A_328[%parallel_loop3A_330] in [0] : vector<16xf32>, vector<16xi32> -> vector<16xf32>
        %parallel_loop3A_332 = arith.addf %parallel_loop3A_328, %parallel_loop3A_331 : vector<16xf32>
        %parallel_loop3A_333 = arith.maximumf %parallel_loop3A_293, %parallel_loop3A_332 : vector<16xf32>
        scf.yield %parallel_loop3A_333 : vector<16xf32>
      } {sc.loop_unroll_factor = 16 : i64, sc.parallel_access}
      %slice3A = vector.extract_strided_slice %parallel_loop3A_205 {offsets = [0], sizes = [1], strides = [1]} : vector<16xf32> to vector<1xf32>
      %squeeze3A = vector.extract %slice3A[0] : f32 from vector<1xf32>
      %gt3A_206 = arith.constant 1.000000e+00 : f32
      %gt3A_207 = arith.cmpf ogt, %squeeze3A, %gt3A_206 : f32
      %convert_element_type3A_208 = arith.extui %gt3A_207 : i1 to i32
      %cond3A_209 = arith.constant 0 : i32
      %cond3A_210 = arith.cmpi ne, %convert_element_type3A_208, %cond3A_209 : i32
      scf.if %cond3A_210 {
        %parallel_loop3A_292 = arith.constant 0 : i32
        %parallel_loop3A_293 = arith.constant 512 : i32
        %parallel_loop3A_294 = arith.constant 1 : i32
        scf.for %parallel_loop3A_295 = %parallel_loop3A_292 to %parallel_loop3A_293 step %parallel_loop3A_294  : i32 {
          %parallel_loop3A_296 = arith.index_cast %parallel_loop3A_295 : i32 to index
          %parallel_loop3A_297 = arith.constant 0 : index
          %parallel_loop3A_298 = tpu.vector_load %arg7[%parallel_loop3A_296, %parallel_loop3A_297] {strides = array<i32>} : memref<512x64xf32, #tpu.memory_space<vmem>>, vector<1x16xf32>,
          %parallel_loop3A_299 = vector.shape_cast %parallel_loop3A_298 : vector<1x16xf32> to vector<16xf32>
          %parallel_loop3A_300 = arith.index_cast %parallel_loop3A_295 : i32 to index
          %parallel_loop3A_301 = arith.constant 16 : index
          %parallel_loop3A_302 = tpu.vector_load %arg7[%parallel_loop3A_300, %parallel_loop3A_301] {strides = array<i32>} : memref<512x64xf32, #tpu.memory_space<vmem>>, vector<1x16xf32>,
          %parallel_loop3A_303 = vector.shape_cast %parallel_loop3A_302 : vector<1x16xf32> to vector<16xf32>
          %parallel_loop3A_304 = arith.index_cast %parallel_loop3A_295 : i32 to index
          %parallel_loop3A_305 = arith.constant 32 : index
          %parallel_loop3A_306 = tpu.vector_load %arg7[%parallel_loop3A_304, %parallel_loop3A_305] {strides = array<i32>} : memref<512x64xf32, #tpu.memory_space<vmem>>, vector<1x16xf32>,
          %parallel_loop3A_307 = vector.shape_cast %parallel_loop3A_306 : vector<1x16xf32> to vector<16xf32>
          %parallel_loop3A_308 = arith.index_cast %parallel_loop3A_295 : i32 to index
          %parallel_loop3A_309 = arith.constant 48 : index
          %parallel_loop3A_310 = tpu.vector_load %arg7[%parallel_loop3A_308, %parallel_loop3A_309] {strides = array<i32>} : memref<512x64xf32, #tpu.memory_space<vmem>>, vector<1x16xf32>,
          %parallel_loop3A_311 = vector.shape_cast %parallel_loop3A_310 : vector<1x16xf32> to vector<16xf32>
          %parallel_loop3A_312 = arith.mulf %parallel_loop3A_299, %parallel_loop3A_299 : vector<16xf32>
          %parallel_loop3A_313 = arith.mulf %parallel_loop3A_303, %parallel_loop3A_303 : vector<16xf32>
          %parallel_loop3A_314 = arith.addf %parallel_loop3A_312, %parallel_loop3A_313 : vector<16xf32>
          %parallel_loop3A_315 = arith.mulf %parallel_loop3A_307, %parallel_loop3A_307 : vector<16xf32>
          %parallel_loop3A_316 = arith.addf %parallel_loop3A_314, %parallel_loop3A_315 : vector<16xf32>
          %parallel_loop3A_317 = arith.mulf %parallel_loop3A_311, %parallel_loop3A_311 : vector<16xf32>
          %parallel_loop3A_318 = arith.addf %parallel_loop3A_316, %parallel_loop3A_317 : vector<16xf32>
          %parallel_loop3A_319 = vector.shape_cast %xor3A_4 : vector<16xi32> to vector<16x1xi32>
          %parallel_loop3A_320 = vector.shape_cast %parallel_loop3A_319 : vector<16x1xi32> to vector<16xi32>
          %parallel_loop3A_321 = tpu.dynamic_gather %parallel_loop3A_318[%parallel_loop3A_320] in [0] : vector<16xf32>, vector<16xi32> -> vector<16xf32>
          %parallel_loop3A_322 = arith.addf %parallel_loop3A_318, %parallel_loop3A_321 : vector<16xf32>
          %parallel_loop3A_323 = vector.shape_cast %xor3A_7 : vector<16xi32> to vector<16x1xi32>
          %parallel_loop3A_324 = vector.shape_cast %parallel_loop3A_323 : vector<16x1xi32> to vector<16xi32>
          %parallel_loop3A_325 = tpu.dynamic_gather %parallel_loop3A_322[%parallel_loop3A_324] in [0] : vector<16xf32>, vector<16xi32> -> vector<16xf32>
          %parallel_loop3A_326 = arith.addf %parallel_loop3A_322, %parallel_loop3A_325 : vector<16xf32>
          %parallel_loop3A_327 = vector.shape_cast %xor3A_10 : vector<16xi32> to vector<16x1xi32>
          %parallel_loop3A_328 = vector.shape_cast %parallel_loop3A_327 : vector<16x1xi32> to vector<16xi32>
          %parallel_loop3A_329 = tpu.dynamic_gather %parallel_loop3A_326[%parallel_loop3A_328] in [0] : vector<16xf32>, vector<16xi32> -> vector<16xf32>
          %parallel_loop3A_330 = arith.addf %parallel_loop3A_326, %parallel_loop3A_329 : vector<16xf32>
          %parallel_loop3A_331 = vector.shape_cast %xor3A_13 : vector<16xi32> to vector<16x1xi32>
          %parallel_loop3A_332 = vector.shape_cast %parallel_loop3A_331 : vector<16x1xi32> to vector<16xi32>
          %parallel_loop3A_333 = tpu.dynamic_gather %parallel_loop3A_330[%parallel_loop3A_332] in [0] : vector<16xf32>, vector<16xi32> -> vector<16xf32>
          %parallel_loop3A_334 = arith.addf %parallel_loop3A_330, %parallel_loop3A_333 : vector<16xf32>
          %parallel_loop3A_335 = tpu.bitcast %parallel_loop3A_334 : vector<16xf32> -> vector<16xi32>
          %parallel_loop3A_336 = arith.constant 1 : i32
          %parallel_loop3A_337 = vector.broadcast %parallel_loop3A_336 : i32 to vector<16xi32>
          %parallel_loop3A_338 = arith.shrsi %parallel_loop3A_335, %parallel_loop3A_337 : vector<16xi32>
          %parallel_loop3A_339 = arith.constant 1597463007 : i32
          %parallel_loop3A_340 = vector.broadcast %parallel_loop3A_339 : i32 to vector<16xi32>
          %parallel_loop3A_341 = arith.subi %parallel_loop3A_340, %parallel_loop3A_338 : vector<16xi32>
          %parallel_loop3A_342 = tpu.bitcast %parallel_loop3A_341 : vector<16xi32> -> vector<16xf32>
          %parallel_loop3A_343 = arith.constant 5.000000e-01 : f32
          %parallel_loop3A_344 = vector.broadcast %parallel_loop3A_343 : f32 to vector<16xf32>
          %parallel_loop3A_345 = arith.mulf %parallel_loop3A_334, %parallel_loop3A_344 : vector<16xf32>
          %parallel_loop3A_346 = arith.mulf %parallel_loop3A_345, %parallel_loop3A_342 : vector<16xf32>
          %parallel_loop3A_347 = arith.mulf %parallel_loop3A_346, %parallel_loop3A_342 : vector<16xf32>
          %parallel_loop3A_348 = arith.constant 1.500000e+00 : f32
          %parallel_loop3A_349 = vector.broadcast %parallel_loop3A_348 : f32 to vector<16xf32>
          %parallel_loop3A_350 = arith.subf %parallel_loop3A_349, %parallel_loop3A_347 : vector<16xf32>
          %parallel_loop3A_351 = arith.mulf %parallel_loop3A_342, %parallel_loop3A_350 : vector<16xf32>
          %parallel_loop3A_352 = arith.mulf %parallel_loop3A_345, %parallel_loop3A_351 : vector<16xf32>
          %parallel_loop3A_353 = arith.mulf %parallel_loop3A_352, %parallel_loop3A_351 : vector<16xf32>
          %parallel_loop3A_354 = arith.constant 1.500000e+00 : f32
          %parallel_loop3A_355 = vector.broadcast %parallel_loop3A_354 : f32 to vector<16xf32>
          %parallel_loop3A_356 = arith.subf %parallel_loop3A_355, %parallel_loop3A_353 : vector<16xf32>
          %parallel_loop3A_357 = arith.mulf %parallel_loop3A_351, %parallel_loop3A_356 : vector<16xf32>
          %parallel_loop3A_358 = arith.constant 1.000000e+00 : f32
          %parallel_loop3A_359 = vector.broadcast %parallel_loop3A_358 : f32 to vector<16xf32>
          %parallel_loop3A_360 = arith.cmpf ogt, %parallel_loop3A_334, %parallel_loop3A_359 : vector<16xf32>
          %parallel_loop3A_361 = arith.constant 1.000000e+00 : f32
          %parallel_loop3A_362 = vector.broadcast %parallel_loop3A_361 : f32 to vector<16xf32>
          %parallel_loop3A_363 = arith.select %parallel_loop3A_360, %parallel_loop3A_357, %parallel_loop3A_362 : vector<16xi1>, vector<16xf32>
          %parallel_loop3A_364 = arith.mulf %parallel_loop3A_299, %parallel_loop3A_363 : vector<16xf32>
          %parallel_loop3A_365 = arith.index_cast %parallel_loop3A_295 : i32 to index
          %parallel_loop3A_366 = arith.constant 0 : index
          %parallel_loop3A_367 = tpu.vector_load %arg7[%parallel_loop3A_365, %parallel_loop3A_366] {strides = array<i32>} : memref<512x64xf32, #tpu.memory_space<vmem>>, vector<1x16xf32>,
          %parallel_loop3A_368 = vector.shape_cast %parallel_loop3A_367 : vector<1x16xf32> to vector<16xf32>
          %parallel_loop3A_369 = vector.shape_cast %parallel_loop3A_364 : vector<16xf32> to vector<1x16xf32>
          tpu.vector_store %arg7[%parallel_loop3A_365, %parallel_loop3A_366], %parallel_loop3A_369 {strides = array<i32>} : memref<512x64xf32, #tpu.memory_space<vmem>>, vector<1x16xf32>,
          %parallel_loop3A_370 = arith.mulf %parallel_loop3A_303, %parallel_loop3A_363 : vector<16xf32>
          %parallel_loop3A_371 = arith.index_cast %parallel_loop3A_295 : i32 to index
          %parallel_loop3A_372 = arith.constant 16 : index
          %parallel_loop3A_373 = tpu.vector_load %arg7[%parallel_loop3A_371, %parallel_loop3A_372] {strides = array<i32>} : memref<512x64xf32, #tpu.memory_space<vmem>>, vector<1x16xf32>,
          %parallel_loop3A_374 = vector.shape_cast %parallel_loop3A_373 : vector<1x16xf32> to vector<16xf32>
          %parallel_loop3A_375 = vector.shape_cast %parallel_loop3A_370 : vector<16xf32> to vector<1x16xf32>
          tpu.vector_store %arg7[%parallel_loop3A_371, %parallel_loop3A_372], %parallel_loop3A_375 {strides = array<i32>} : memref<512x64xf32, #tpu.memory_space<vmem>>, vector<1x16xf32>,
          %parallel_loop3A_376 = arith.mulf %parallel_loop3A_307, %parallel_loop3A_363 : vector<16xf32>
          %parallel_loop3A_377 = arith.index_cast %parallel_loop3A_295 : i32 to index
          %parallel_loop3A_378 = arith.constant 32 : index
          %parallel_loop3A_379 = tpu.vector_load %arg7[%parallel_loop3A_377, %parallel_loop3A_378] {strides = array<i32>} : memref<512x64xf32, #tpu.memory_space<vmem>>, vector<1x16xf32>,
          %parallel_loop3A_380 = vector.shape_cast %parallel_loop3A_379 : vector<1x16xf32> to vector<16xf32>
          %parallel_loop3A_381 = vector.shape_cast %parallel_loop3A_376 : vector<16xf32> to vector<1x16xf32>
          tpu.vector_store %arg7[%parallel_loop3A_377, %parallel_loop3A_378], %parallel_loop3A_381 {strides = array<i32>} : memref<512x64xf32, #tpu.memory_space<vmem>>, vector<1x16xf32>,
          %parallel_loop3A_382 = arith.mulf %parallel_loop3A_311, %parallel_loop3A_363 : vector<16xf32>
          %parallel_loop3A_383 = arith.index_cast %parallel_loop3A_295 : i32 to index
          %parallel_loop3A_384 = arith.constant 48 : index
          %parallel_loop3A_385 = tpu.vector_load %arg7[%parallel_loop3A_383, %parallel_loop3A_384] {strides = array<i32>} : memref<512x64xf32, #tpu.memory_space<vmem>>, vector<1x16xf32>,
          %parallel_loop3A_386 = vector.shape_cast %parallel_loop3A_385 : vector<1x16xf32> to vector<16xf32>
          %parallel_loop3A_387 = vector.shape_cast %parallel_loop3A_382 : vector<16xf32> to vector<1x16xf32>
          tpu.vector_store %arg7[%parallel_loop3A_383, %parallel_loop3A_384], %parallel_loop3A_387 {strides = array<i32>} : memref<512x64xf32, #tpu.memory_space<vmem>>, vector<1x16xf32>,
        } {sc.loop_unroll_factor = 8 : i64, sc.parallel_access}
      } else {
      }
      %mul3A_211 = arith.constant 512 : i32
      %mul3A_212 = arith.muli %mul3A_87, %mul3A_211 : i32
      %add3A_213 = arith.addi %mul3A_2, %mul3A_212 : i32
      %multiple_of3A_214 = tpu.assume_multiple %add3A_213, 512 : i32
      %dma_start3A_215 = arith.constant 0 : i32
      %dma_start3A_216 = tpu.memref_slice %arg4[%multiple_of3A_214, %dma_start3A_215] : memref<819200x64xf32, #tpu.memory_space<hbm>> -> memref<512x64xf32, #tpu.memory_space<hbm>>
      %dma_start3A_217 = arith.constant 0 : i32
      %dma_start3A_218 = tpu.memref_slice %arg4[%multiple_of3A_214, %dma_start3A_217] : memref<819200x64xf32, #tpu.memory_space<hbm>> -> memref<512x64xf32, #tpu.memory_space<hbm>>
      tpu.enqueue_dma source(%arg7 : memref<512x64xf32, #tpu.memory_space<vmem>>) target(%dma_start3A_218 : memref<512x64xf32, #tpu.memory_space<hbm>>) target_semaphore(%arg11 : memref<!tpu.dma_semaphore, #tpu.memory_space<semaphore_mem>>)
      %dma_wait3A_219 = arith.constant 0 : i32
      %dma_wait3A_220 = arith.constant 0 : i32
      %dma_wait3A_221 = arith.constant 0 : i32
      %dma_wait3A_222 = tpu.memref_slice %arg8[%dma_wait3A_220, %dma_wait3A_221] : memref<512x64xf32, #tpu.memory_space<vmem>> -> memref<128x64xf32, #tpu.memory_space<vmem>>
      %dma_wait3A_223 = arith.constant 0 : i32
      %dma_wait3A_224 = tpu.memref_slice %arg6[%dma_wait3A_219, %dma_wait3A_223] : memref<4x128xi32, #tpu.memory_space<vmem>> -> memref<1x128xi32, #tpu.memory_space<vmem>>
      %dma_wait3A_225 = tpu.memref_squeeze %dma_wait3A_224 : memref<1x128xi32, #tpu.memory_space<vmem>> -> memref<128xi32, #tpu.memory_space<vmem>>
      %dma_wait3A_226 = arith.constant 0 : i32
      %dma_wait3A_227 = arith.constant 0 : i32
      %dma_wait3A_228 = tpu.memref_slice %arg3[%dma_wait3A_226, %dma_wait3A_227] : memref<1000000x64xf32, #tpu.memory_space<hbm>> -> memref<1000000x64xf32, #tpu.memory_space<hbm>>
      tpu.wait_indirect_dma semaphore(%arg10 : memref<!tpu.dma_semaphore, #tpu.memory_space<semaphore_mem>>) src(%dma_wait3A_228 : memref<1000000x64xf32, #tpu.memory_space<hbm>>) dst(%dma_wait3A_222 : memref<128x64xf32, #tpu.memory_space<vmem>>)
      %dma_wait3A_229 = arith.constant 1 : i32
      %dma_wait3A_230 = arith.constant 128 : i32
      %dma_wait3A_231 = arith.constant 0 : i32
      %dma_wait3A_232 = tpu.memref_slice %arg8[%dma_wait3A_230, %dma_wait3A_231] : memref<512x64xf32, #tpu.memory_space<vmem>> -> memref<128x64xf32, #tpu.memory_space<vmem>>
      %dma_wait3A_233 = arith.constant 0 : i32
      %dma_wait3A_234 = tpu.memref_slice %arg6[%dma_wait3A_229, %dma_wait3A_233] : memref<4x128xi32, #tpu.memory_space<vmem>> -> memref<1x128xi32, #tpu.memory_space<vmem>>
      %dma_wait3A_235 = tpu.memref_squeeze %dma_wait3A_234 : memref<1x128xi32, #tpu.memory_space<vmem>> -> memref<128xi32, #tpu.memory_space<vmem>>
      %dma_wait3A_236 = arith.constant 0 : i32
      %dma_wait3A_237 = arith.constant 0 : i32
      %dma_wait3A_238 = tpu.memref_slice %arg3[%dma_wait3A_236, %dma_wait3A_237] : memref<1000000x64xf32, #tpu.memory_space<hbm>> -> memref<1000000x64xf32, #tpu.memory_space<hbm>>
      tpu.wait_indirect_dma semaphore(%arg10 : memref<!tpu.dma_semaphore, #tpu.memory_space<semaphore_mem>>) src(%dma_wait3A_238 : memref<1000000x64xf32, #tpu.memory_space<hbm>>) dst(%dma_wait3A_232 : memref<128x64xf32, #tpu.memory_space<vmem>>)
      %dma_wait3A_239 = arith.constant 2 : i32
      %dma_wait3A_240 = arith.constant 256 : i32
      %dma_wait3A_241 = arith.constant 0 : i32
      %dma_wait3A_242 = tpu.memref_slice %arg8[%dma_wait3A_240, %dma_wait3A_241] : memref<512x64xf32, #tpu.memory_space<vmem>> -> memref<128x64xf32, #tpu.memory_space<vmem>>
      %dma_wait3A_243 = arith.constant 0 : i32
      %dma_wait3A_244 = tpu.memref_slice %arg6[%dma_wait3A_239, %dma_wait3A_243] : memref<4x128xi32, #tpu.memory_space<vmem>> -> memref<1x128xi32, #tpu.memory_space<vmem>>
      %dma_wait3A_245 = tpu.memref_squeeze %dma_wait3A_244 : memref<1x128xi32, #tpu.memory_space<vmem>> -> memref<128xi32, #tpu.memory_space<vmem>>
      %dma_wait3A_246 = arith.constant 0 : i32
      %dma_wait3A_247 = arith.constant 0 : i32
      %dma_wait3A_248 = tpu.memref_slice %arg3[%dma_wait3A_246, %dma_wait3A_247] : memref<1000000x64xf32, #tpu.memory_space<hbm>> -> memref<1000000x64xf32, #tpu.memory_space<hbm>>
      tpu.wait_indirect_dma semaphore(%arg10 : memref<!tpu.dma_semaphore, #tpu.memory_space<semaphore_mem>>) src(%dma_wait3A_248 : memref<1000000x64xf32, #tpu.memory_space<hbm>>) dst(%dma_wait3A_242 : memref<128x64xf32, #tpu.memory_space<vmem>>)
      %dma_wait3A_249 = arith.constant 3 : i32
      %dma_wait3A_250 = arith.constant 384 : i32
      %dma_wait3A_251 = arith.constant 0 : i32
      %dma_wait3A_252 = tpu.memref_slice %arg8[%dma_wait3A_250, %dma_wait3A_251] : memref<512x64xf32, #tpu.memory_space<vmem>> -> memref<128x64xf32, #tpu.memory_space<vmem>>
      %dma_wait3A_253 = arith.constant 0 : i32
      %dma_wait3A_254 = tpu.memref_slice %arg6[%dma_wait3A_249, %dma_wait3A_253] : memref<4x128xi32, #tpu.memory_space<vmem>> -> memref<1x128xi32, #tpu.memory_space<vmem>>
      %dma_wait3A_255 = tpu.memref_squeeze %dma_wait3A_254 : memref<1x128xi32, #tpu.memory_space<vmem>> -> memref<128xi32, #tpu.memory_space<vmem>>
      %dma_wait3A_256 = arith.constant 0 : i32
      %dma_wait3A_257 = arith.constant 0 : i32
      %dma_wait3A_258 = tpu.memref_slice %arg3[%dma_wait3A_256, %dma_wait3A_257] : memref<1000000x64xf32, #tpu.memory_space<hbm>> -> memref<1000000x64xf32, #tpu.memory_space<hbm>>
      tpu.wait_indirect_dma semaphore(%arg10 : memref<!tpu.dma_semaphore, #tpu.memory_space<semaphore_mem>>) src(%dma_wait3A_258 : memref<1000000x64xf32, #tpu.memory_space<hbm>>) dst(%dma_wait3A_252 : memref<128x64xf32, #tpu.memory_space<vmem>>)
      %mul3A_259 = arith.constant 512 : i32
      %mul3A_260 = arith.muli %mul3A_87, %mul3A_259 : i32
      %add3A_261 = arith.addi %mul3A_2, %mul3A_260 : i32
      %multiple_of3A_262 = tpu.assume_multiple %add3A_261, 512 : i32
      %dma_wait3A_263 = arith.constant 0 : i32
      %dma_wait3A_264 = tpu.memref_slice %arg4[%multiple_of3A_262, %dma_wait3A_263] : memref<819200x64xf32, #tpu.memory_space<hbm>> -> memref<512x64xf32, #tpu.memory_space<hbm>>
      %dma_wait3A_265 = arith.constant 0 : i32
      %dma_wait3A_266 = tpu.memref_slice %arg4[%multiple_of3A_262, %dma_wait3A_265] : memref<819200x64xf32, #tpu.memory_space<hbm>> -> memref<512x64xf32, #tpu.memory_space<hbm>>
      tpu.wait_dma2 semaphore(%arg11 : memref<!tpu.dma_semaphore, #tpu.memory_space<semaphore_mem>>) src(%arg7 : memref<512x64xf32, #tpu.memory_space<vmem>>) dst(%dma_wait3A_266 : memref<512x64xf32, #tpu.memory_space<hbm>>)
      %lt3A = arith.constant 24 : i32
      %lt3A_267 = arith.cmpi slt, %add3A_85, %lt3A : i32
      %convert_element_type3A_268 = arith.extui %lt3A_267 : i1 to i32
      %cond3A_269 = arith.constant 0 : i32
      %cond3A_270 = arith.cmpi ne, %convert_element_type3A_268, %cond3A_269 : i32
      scf.if %cond3A_270 {
        %add3A_292 = arith.constant 2 : i32
        %add3A_293 = arith.addi %mul3A_87, %add3A_292 : i32
        %mul3A_294 = arith.constant 512 : i32
        %mul3A_295 = arith.muli %add3A_293, %mul3A_294 : i32
        %add3A_296 = arith.addi %mul3A_2, %mul3A_295 : i32
        %jit3A_297 = arith.constant 128 : i32
        %div3A_298 = arith.divsi %add3A_296, %jit3A_297 : i32
        %sign3A_299 = arith.constant 0 : i32
        %sign3A_300 = arith.cmpi sgt, %add3A_296, %sign3A_299 : i32
        %sign3A_301 = arith.extui %sign3A_300 : i1 to i32
        %sign3A_302 = arith.constant 0 : i32
        %sign3A_303 = arith.cmpi slt, %add3A_296, %sign3A_302 : i32
        %sign3A_304 = arith.extui %sign3A_303 : i1 to i32
        %sign3A_305 = arith.subi %sign3A_301, %sign3A_304 : i32
        %sign3A_306 = arith.constant 0 : i32
        %sign3A_307 = arith.cmpi sgt, %jit3A_297, %sign3A_306 : i32
        %sign3A_308 = arith.extui %sign3A_307 : i1 to i32
        %sign3A_309 = arith.constant 0 : i32
        %sign3A_310 = arith.cmpi slt, %jit3A_297, %sign3A_309 : i32
        %sign3A_311 = arith.extui %sign3A_310 : i1 to i32
        %sign3A_312 = arith.subi %sign3A_308, %sign3A_311 : i32
        %ne3A_313 = arith.cmpi ne, %sign3A_305, %sign3A_312 : i32
        %rem3A_314 = arith.remsi %add3A_296, %jit3A_297 : i32
        %ne3A_315 = arith.constant 0 : i32
        %ne3A_316 = arith.cmpi ne, %rem3A_314, %ne3A_315 : i32
        %and3A_317 = arith.andi %ne3A_313, %ne3A_316 : i1
        %sub3A_318 = arith.constant 1 : i32
        %sub3A_319 = arith.subi %div3A_298, %sub3A_318 : i32
        %select_n3A_320 = arith.select %and3A_317, %sub3A_319, %div3A_298 : i32
        %multiple_of3A_321 = tpu.assume_multiple %select_n3A_320, 4 : i32
        "tpu.region"() ({
          %run_scoped3A = tpu.sem_alloc : memref<!tpu.dma_semaphore, #tpu.memory_space<semaphore_mem>>
          %dma_start3A_362 = arith.constant 0 : i32
          %dma_start3A_363 = tpu.memref_slice %arg2[%multiple_of3A_321, %dma_start3A_362] : memref<6400x128xi32, #tpu.memory_space<hbm>> -> memref<4x128xi32, #tpu.memory_space<hbm>>
          %dma_start3A_364 = arith.constant 0 : i32
          %dma_start3A_365 = tpu.memref_slice %arg2[%multiple_of3A_321, %dma_start3A_364] : memref<6400x128xi32, #tpu.memory_space<hbm>> -> memref<4x128xi32, #tpu.memory_space<hbm>>
          tpu.enqueue_dma source(%dma_start3A_365 : memref<4x128xi32, #tpu.memory_space<hbm>>) target(%arg5 : memref<4x128xi32, #tpu.memory_space<vmem>>) target_semaphore(%run_scoped3A : memref<!tpu.dma_semaphore, #tpu.memory_space<semaphore_mem>>)
          %dma_wait3A_366 = arith.constant 0 : i32
          %dma_wait3A_367 = tpu.memref_slice %arg2[%multiple_of3A_321, %dma_wait3A_366] : memref<6400x128xi32, #tpu.memory_space<hbm>> -> memref<4x128xi32, #tpu.memory_space<hbm>>
          %dma_wait3A_368 = arith.constant 0 : i32
          %dma_wait3A_369 = tpu.memref_slice %arg2[%multiple_of3A_321, %dma_wait3A_368] : memref<6400x128xi32, #tpu.memory_space<hbm>> -> memref<4x128xi32, #tpu.memory_space<hbm>>
          tpu.wait_dma2 semaphore(%run_scoped3A : memref<!tpu.dma_semaphore, #tpu.memory_space<semaphore_mem>>) src(%dma_wait3A_369 : memref<4x128xi32, #tpu.memory_space<hbm>>) dst(%arg5 : memref<4x128xi32, #tpu.memory_space<vmem>>)
          tpu.yield
        }) : () -> ()
        %dma_start3A_322 = arith.constant 0 : i32
        %dma_start3A_323 = arith.constant 0 : i32
        %dma_start3A_324 = arith.constant 0 : i32
        %dma_start3A_325 = tpu.memref_slice %arg7[%dma_start3A_323, %dma_start3A_324] : memref<512x64xf32, #tpu.memory_space<vmem>> -> memref<128x64xf32, #tpu.memory_space<vmem>>
        %dma_start3A_326 = arith.constant 0 : i32
        %dma_start3A_327 = tpu.memref_slice %arg5[%dma_start3A_322, %dma_start3A_326] : memref<4x128xi32, #tpu.memory_space<vmem>> -> memref<1x128xi32, #tpu.memory_space<vmem>>
        %dma_start3A_328 = tpu.memref_squeeze %dma_start3A_327 : memref<1x128xi32, #tpu.memory_space<vmem>> -> memref<128xi32, #tpu.memory_space<vmem>>
        %dma_start3A_329 = arith.constant 0 : i32
        %dma_start3A_330 = arith.constant 0 : i32
        %dma_start3A_331 = tpu.memref_slice %arg3[%dma_start3A_329, %dma_start3A_330] : memref<1000000x64xf32, #tpu.memory_space<hbm>> -> memref<1000000x64xf32, #tpu.memory_space<hbm>>
        tpu.enqueue_indirect_dma source(%dma_start3A_331 : memref<1000000x64xf32, #tpu.memory_space<hbm>>) target(%dma_start3A_325 : memref<128x64xf32, #tpu.memory_space<vmem>>) offsets(%dma_start3A_328 : memref<128xi32, #tpu.memory_space<vmem>>) semaphore(%arg9 : memref<!tpu.dma_semaphore, #tpu.memory_space<semaphore_mem>>)
        %dma_start3A_332 = arith.constant 1 : i32
        %dma_start3A_333 = arith.constant 128 : i32
        %dma_start3A_334 = arith.constant 0 : i32
        %dma_start3A_335 = tpu.memref_slice %arg7[%dma_start3A_333, %dma_start3A_334] : memref<512x64xf32, #tpu.memory_space<vmem>> -> memref<128x64xf32, #tpu.memory_space<vmem>>
        %dma_start3A_336 = arith.constant 0 : i32
        %dma_start3A_337 = tpu.memref_slice %arg5[%dma_start3A_332, %dma_start3A_336] : memref<4x128xi32, #tpu.memory_space<vmem>> -> memref<1x128xi32, #tpu.memory_space<vmem>>
        %dma_start3A_338 = tpu.memref_squeeze %dma_start3A_337 : memref<1x128xi32, #tpu.memory_space<vmem>> -> memref<128xi32, #tpu.memory_space<vmem>>
        %dma_start3A_339 = arith.constant 0 : i32
        %dma_start3A_340 = arith.constant 0 : i32
        %dma_start3A_341 = tpu.memref_slice %arg3[%dma_start3A_339, %dma_start3A_340] : memref<1000000x64xf32, #tpu.memory_space<hbm>> -> memref<1000000x64xf32, #tpu.memory_space<hbm>>
        tpu.enqueue_indirect_dma source(%dma_start3A_341 : memref<1000000x64xf32, #tpu.memory_space<hbm>>) target(%dma_start3A_335 : memref<128x64xf32, #tpu.memory_space<vmem>>) offsets(%dma_start3A_338 : memref<128xi32, #tpu.memory_space<vmem>>) semaphore(%arg9 : memref<!tpu.dma_semaphore, #tpu.memory_space<semaphore_mem>>)
        %dma_start3A_342 = arith.constant 2 : i32
        %dma_start3A_343 = arith.constant 256 : i32
        %dma_start3A_344 = arith.constant 0 : i32
        %dma_start3A_345 = tpu.memref_slice %arg7[%dma_start3A_343, %dma_start3A_344] : memref<512x64xf32, #tpu.memory_space<vmem>> -> memref<128x64xf32, #tpu.memory_space<vmem>>
        %dma_start3A_346 = arith.constant 0 : i32
        %dma_start3A_347 = tpu.memref_slice %arg5[%dma_start3A_342, %dma_start3A_346] : memref<4x128xi32, #tpu.memory_space<vmem>> -> memref<1x128xi32, #tpu.memory_space<vmem>>
        %dma_start3A_348 = tpu.memref_squeeze %dma_start3A_347 : memref<1x128xi32, #tpu.memory_space<vmem>> -> memref<128xi32, #tpu.memory_space<vmem>>
        %dma_start3A_349 = arith.constant 0 : i32
        %dma_start3A_350 = arith.constant 0 : i32
        %dma_start3A_351 = tpu.memref_slice %arg3[%dma_start3A_349, %dma_start3A_350] : memref<1000000x64xf32, #tpu.memory_space<hbm>> -> memref<1000000x64xf32, #tpu.memory_space<hbm>>
        tpu.enqueue_indirect_dma source(%dma_start3A_351 : memref<1000000x64xf32, #tpu.memory_space<hbm>>) target(%dma_start3A_345 : memref<128x64xf32, #tpu.memory_space<vmem>>) offsets(%dma_start3A_348 : memref<128xi32, #tpu.memory_space<vmem>>) semaphore(%arg9 : memref<!tpu.dma_semaphore, #tpu.memory_space<semaphore_mem>>)
        %dma_start3A_352 = arith.constant 3 : i32
        %dma_start3A_353 = arith.constant 384 : i32
        %dma_start3A_354 = arith.constant 0 : i32
        %dma_start3A_355 = tpu.memref_slice %arg7[%dma_start3A_353, %dma_start3A_354] : memref<512x64xf32, #tpu.memory_space<vmem>> -> memref<128x64xf32, #tpu.memory_space<vmem>>
        %dma_start3A_356 = arith.constant 0 : i32
        %dma_start3A_357 = tpu.memref_slice %arg5[%dma_start3A_352, %dma_start3A_356] : memref<4x128xi32, #tpu.memory_space<vmem>> -> memref<1x128xi32, #tpu.memory_space<vmem>>
        %dma_start3A_358 = tpu.memref_squeeze %dma_start3A_357 : memref<1x128xi32, #tpu.memory_space<vmem>> -> memref<128xi32, #tpu.memory_space<vmem>>
        %dma_start3A_359 = arith.constant 0 : i32
        %dma_start3A_360 = arith.constant 0 : i32
        %dma_start3A_361 = tpu.memref_slice %arg3[%dma_start3A_359, %dma_start3A_360] : memref<1000000x64xf32, #tpu.memory_space<hbm>> -> memref<1000000x64xf32, #tpu.memory_space<hbm>>
        tpu.enqueue_indirect_dma source(%dma_start3A_361 : memref<1000000x64xf32, #tpu.memory_space<hbm>>) target(%dma_start3A_355 : memref<128x64xf32, #tpu.memory_space<vmem>>) offsets(%dma_start3A_358 : memref<128xi32, #tpu.memory_space<vmem>>) semaphore(%arg9 : memref<!tpu.dma_semaphore, #tpu.memory_space<semaphore_mem>>)
      } else {
      }
      %broadcast_in_dim3A_271 = arith.constant 0.000000e+00 : f32
      %broadcast_in_dim3A_272 = vector.broadcast %broadcast_in_dim3A_271 : f32 to vector<16xf32>
      %parallel_loop3A_273 = arith.constant 0 : i32
      %parallel_loop3A_274 = arith.constant 512 : i32
      %parallel_loop3A_275 = arith.constant 1 : i32
      %parallel_loop3A_276 = scf.for %parallel_loop3A_292 = %parallel_loop3A_273 to %parallel_loop3A_274 step %parallel_loop3A_275 iter_args(%parallel_loop3A_293 = %broadcast_in_dim3A_272) -> (vector<16xf32>)  : i32 {
        %parallel_loop3A_294 = arith.index_cast %parallel_loop3A_292 : i32 to index
        %parallel_loop3A_295 = arith.constant 0 : index
        %parallel_loop3A_296 = tpu.vector_load %arg8[%parallel_loop3A_294, %parallel_loop3A_295] {strides = array<i32>} : memref<512x64xf32, #tpu.memory_space<vmem>>, vector<1x16xf32>,
        %parallel_loop3A_297 = vector.shape_cast %parallel_loop3A_296 : vector<1x16xf32> to vector<16xf32>
        %parallel_loop3A_298 = arith.index_cast %parallel_loop3A_292 : i32 to index
        %parallel_loop3A_299 = arith.constant 16 : index
        %parallel_loop3A_300 = tpu.vector_load %arg8[%parallel_loop3A_298, %parallel_loop3A_299] {strides = array<i32>} : memref<512x64xf32, #tpu.memory_space<vmem>>, vector<1x16xf32>,
        %parallel_loop3A_301 = vector.shape_cast %parallel_loop3A_300 : vector<1x16xf32> to vector<16xf32>
        %parallel_loop3A_302 = arith.index_cast %parallel_loop3A_292 : i32 to index
        %parallel_loop3A_303 = arith.constant 32 : index
        %parallel_loop3A_304 = tpu.vector_load %arg8[%parallel_loop3A_302, %parallel_loop3A_303] {strides = array<i32>} : memref<512x64xf32, #tpu.memory_space<vmem>>, vector<1x16xf32>,
        %parallel_loop3A_305 = vector.shape_cast %parallel_loop3A_304 : vector<1x16xf32> to vector<16xf32>
        %parallel_loop3A_306 = arith.index_cast %parallel_loop3A_292 : i32 to index
        %parallel_loop3A_307 = arith.constant 48 : index
        %parallel_loop3A_308 = tpu.vector_load %arg8[%parallel_loop3A_306, %parallel_loop3A_307] {strides = array<i32>} : memref<512x64xf32, #tpu.memory_space<vmem>>, vector<1x16xf32>,
        %parallel_loop3A_309 = vector.shape_cast %parallel_loop3A_308 : vector<1x16xf32> to vector<16xf32>
        %parallel_loop3A_310 = arith.mulf %parallel_loop3A_297, %parallel_loop3A_297 : vector<16xf32>
        %parallel_loop3A_311 = arith.mulf %parallel_loop3A_301, %parallel_loop3A_301 : vector<16xf32>
        %parallel_loop3A_312 = arith.addf %parallel_loop3A_310, %parallel_loop3A_311 : vector<16xf32>
        %parallel_loop3A_313 = arith.mulf %parallel_loop3A_305, %parallel_loop3A_305 : vector<16xf32>
        %parallel_loop3A_314 = arith.addf %parallel_loop3A_312, %parallel_loop3A_313 : vector<16xf32>
        %parallel_loop3A_315 = arith.mulf %parallel_loop3A_309, %parallel_loop3A_309 : vector<16xf32>
        %parallel_loop3A_316 = arith.addf %parallel_loop3A_314, %parallel_loop3A_315 : vector<16xf32>
        %parallel_loop3A_317 = vector.shape_cast %xor3A_4 : vector<16xi32> to vector<16x1xi32>
        %parallel_loop3A_318 = vector.shape_cast %parallel_loop3A_317 : vector<16x1xi32> to vector<16xi32>
        %parallel_loop3A_319 = tpu.dynamic_gather %parallel_loop3A_316[%parallel_loop3A_318] in [0] : vector<16xf32>, vector<16xi32> -> vector<16xf32>
        %parallel_loop3A_320 = arith.addf %parallel_loop3A_316, %parallel_loop3A_319 : vector<16xf32>
        %parallel_loop3A_321 = vector.shape_cast %xor3A_7 : vector<16xi32> to vector<16x1xi32>
        %parallel_loop3A_322 = vector.shape_cast %parallel_loop3A_321 : vector<16x1xi32> to vector<16xi32>
        %parallel_loop3A_323 = tpu.dynamic_gather %parallel_loop3A_320[%parallel_loop3A_322] in [0] : vector<16xf32>, vector<16xi32> -> vector<16xf32>
        %parallel_loop3A_324 = arith.addf %parallel_loop3A_320, %parallel_loop3A_323 : vector<16xf32>
        %parallel_loop3A_325 = vector.shape_cast %xor3A_10 : vector<16xi32> to vector<16x1xi32>
        %parallel_loop3A_326 = vector.shape_cast %parallel_loop3A_325 : vector<16x1xi32> to vector<16xi32>
        %parallel_loop3A_327 = tpu.dynamic_gather %parallel_loop3A_324[%parallel_loop3A_326] in [0] : vector<16xf32>, vector<16xi32> -> vector<16xf32>
        %parallel_loop3A_328 = arith.addf %parallel_loop3A_324, %parallel_loop3A_327 : vector<16xf32>
        %parallel_loop3A_329 = vector.shape_cast %xor3A_13 : vector<16xi32> to vector<16x1xi32>
        %parallel_loop3A_330 = vector.shape_cast %parallel_loop3A_329 : vector<16x1xi32> to vector<16xi32>
        %parallel_loop3A_331 = tpu.dynamic_gather %parallel_loop3A_328[%parallel_loop3A_330] in [0] : vector<16xf32>, vector<16xi32> -> vector<16xf32>
        %parallel_loop3A_332 = arith.addf %parallel_loop3A_328, %parallel_loop3A_331 : vector<16xf32>
        %parallel_loop3A_333 = arith.maximumf %parallel_loop3A_293, %parallel_loop3A_332 : vector<16xf32>
        scf.yield %parallel_loop3A_333 : vector<16xf32>
      } {sc.loop_unroll_factor = 16 : i64, sc.parallel_access}
      %slice3A_277 = vector.extract_strided_slice %parallel_loop3A_276 {offsets = [0], sizes = [1], strides = [1]} : vector<16xf32> to vector<1xf32>
      %squeeze3A_278 = vector.extract %slice3A_277[0] : f32 from vector<1xf32>
      %gt3A_279 = arith.constant 1.000000e+00 : f32
      %gt3A_280 = arith.cmpf ogt, %squeeze3A_278, %gt3A_279 : f32
      %convert_element_type3A_281 = arith.extui %gt3A_280 : i1 to i32
      %cond3A_282 = arith.constant 0 : i32
      %cond3A_283 = arith.cmpi ne, %convert_element_type3A_281, %cond3A_282 : i32
      scf.if %cond3A_283 {
        %parallel_loop3A_292 = arith.constant 0 : i32
        %parallel_loop3A_293 = arith.constant 512 : i32
        %parallel_loop3A_294 = arith.constant 1 : i32
        scf.for %parallel_loop3A_295 = %parallel_loop3A_292 to %parallel_loop3A_293 step %parallel_loop3A_294  : i32 {
          %parallel_loop3A_296 = arith.index_cast %parallel_loop3A_295 : i32 to index
          %parallel_loop3A_297 = arith.constant 0 : index
          %parallel_loop3A_298 = tpu.vector_load %arg8[%parallel_loop3A_296, %parallel_loop3A_297] {strides = array<i32>} : memref<512x64xf32, #tpu.memory_space<vmem>>, vector<1x16xf32>,
          %parallel_loop3A_299 = vector.shape_cast %parallel_loop3A_298 : vector<1x16xf32> to vector<16xf32>
          %parallel_loop3A_300 = arith.index_cast %parallel_loop3A_295 : i32 to index
          %parallel_loop3A_301 = arith.constant 16 : index
          %parallel_loop3A_302 = tpu.vector_load %arg8[%parallel_loop3A_300, %parallel_loop3A_301] {strides = array<i32>} : memref<512x64xf32, #tpu.memory_space<vmem>>, vector<1x16xf32>,
          %parallel_loop3A_303 = vector.shape_cast %parallel_loop3A_302 : vector<1x16xf32> to vector<16xf32>
          %parallel_loop3A_304 = arith.index_cast %parallel_loop3A_295 : i32 to index
          %parallel_loop3A_305 = arith.constant 32 : index
          %parallel_loop3A_306 = tpu.vector_load %arg8[%parallel_loop3A_304, %parallel_loop3A_305] {strides = array<i32>} : memref<512x64xf32, #tpu.memory_space<vmem>>, vector<1x16xf32>,
          %parallel_loop3A_307 = vector.shape_cast %parallel_loop3A_306 : vector<1x16xf32> to vector<16xf32>
          %parallel_loop3A_308 = arith.index_cast %parallel_loop3A_295 : i32 to index
          %parallel_loop3A_309 = arith.constant 48 : index
          %parallel_loop3A_310 = tpu.vector_load %arg8[%parallel_loop3A_308, %parallel_loop3A_309] {strides = array<i32>} : memref<512x64xf32, #tpu.memory_space<vmem>>, vector<1x16xf32>,
          %parallel_loop3A_311 = vector.shape_cast %parallel_loop3A_310 : vector<1x16xf32> to vector<16xf32>
          %parallel_loop3A_312 = arith.mulf %parallel_loop3A_299, %parallel_loop3A_299 : vector<16xf32>
          %parallel_loop3A_313 = arith.mulf %parallel_loop3A_303, %parallel_loop3A_303 : vector<16xf32>
          %parallel_loop3A_314 = arith.addf %parallel_loop3A_312, %parallel_loop3A_313 : vector<16xf32>
          %parallel_loop3A_315 = arith.mulf %parallel_loop3A_307, %parallel_loop3A_307 : vector<16xf32>
          %parallel_loop3A_316 = arith.addf %parallel_loop3A_314, %parallel_loop3A_315 : vector<16xf32>
          %parallel_loop3A_317 = arith.mulf %parallel_loop3A_311, %parallel_loop3A_311 : vector<16xf32>
          %parallel_loop3A_318 = arith.addf %parallel_loop3A_316, %parallel_loop3A_317 : vector<16xf32>
          %parallel_loop3A_319 = vector.shape_cast %xor3A_4 : vector<16xi32> to vector<16x1xi32>
          %parallel_loop3A_320 = vector.shape_cast %parallel_loop3A_319 : vector<16x1xi32> to vector<16xi32>
          %parallel_loop3A_321 = tpu.dynamic_gather %parallel_loop3A_318[%parallel_loop3A_320] in [0] : vector<16xf32>, vector<16xi32> -> vector<16xf32>
          %parallel_loop3A_322 = arith.addf %parallel_loop3A_318, %parallel_loop3A_321 : vector<16xf32>
          %parallel_loop3A_323 = vector.shape_cast %xor3A_7 : vector<16xi32> to vector<16x1xi32>
          %parallel_loop3A_324 = vector.shape_cast %parallel_loop3A_323 : vector<16x1xi32> to vector<16xi32>
          %parallel_loop3A_325 = tpu.dynamic_gather %parallel_loop3A_322[%parallel_loop3A_324] in [0] : vector<16xf32>, vector<16xi32> -> vector<16xf32>
          %parallel_loop3A_326 = arith.addf %parallel_loop3A_322, %parallel_loop3A_325 : vector<16xf32>
          %parallel_loop3A_327 = vector.shape_cast %xor3A_10 : vector<16xi32> to vector<16x1xi32>
          %parallel_loop3A_328 = vector.shape_cast %parallel_loop3A_327 : vector<16x1xi32> to vector<16xi32>
          %parallel_loop3A_329 = tpu.dynamic_gather %parallel_loop3A_326[%parallel_loop3A_328] in [0] : vector<16xf32>, vector<16xi32> -> vector<16xf32>
          %parallel_loop3A_330 = arith.addf %parallel_loop3A_326, %parallel_loop3A_329 : vector<16xf32>
          %parallel_loop3A_331 = vector.shape_cast %xor3A_13 : vector<16xi32> to vector<16x1xi32>
          %parallel_loop3A_332 = vector.shape_cast %parallel_loop3A_331 : vector<16x1xi32> to vector<16xi32>
          %parallel_loop3A_333 = tpu.dynamic_gather %parallel_loop3A_330[%parallel_loop3A_332] in [0] : vector<16xf32>, vector<16xi32> -> vector<16xf32>
          %parallel_loop3A_334 = arith.addf %parallel_loop3A_330, %parallel_loop3A_333 : vector<16xf32>
          %parallel_loop3A_335 = tpu.bitcast %parallel_loop3A_334 : vector<16xf32> -> vector<16xi32>
          %parallel_loop3A_336 = arith.constant 1 : i32
          %parallel_loop3A_337 = vector.broadcast %parallel_loop3A_336 : i32 to vector<16xi32>
          %parallel_loop3A_338 = arith.shrsi %parallel_loop3A_335, %parallel_loop3A_337 : vector<16xi32>
          %parallel_loop3A_339 = arith.constant 1597463007 : i32
          %parallel_loop3A_340 = vector.broadcast %parallel_loop3A_339 : i32 to vector<16xi32>
          %parallel_loop3A_341 = arith.subi %parallel_loop3A_340, %parallel_loop3A_338 : vector<16xi32>
          %parallel_loop3A_342 = tpu.bitcast %parallel_loop3A_341 : vector<16xi32> -> vector<16xf32>
          %parallel_loop3A_343 = arith.constant 5.000000e-01 : f32
          %parallel_loop3A_344 = vector.broadcast %parallel_loop3A_343 : f32 to vector<16xf32>
          %parallel_loop3A_345 = arith.mulf %parallel_loop3A_334, %parallel_loop3A_344 : vector<16xf32>
          %parallel_loop3A_346 = arith.mulf %parallel_loop3A_345, %parallel_loop3A_342 : vector<16xf32>
          %parallel_loop3A_347 = arith.mulf %parallel_loop3A_346, %parallel_loop3A_342 : vector<16xf32>
          %parallel_loop3A_348 = arith.constant 1.500000e+00 : f32
          %parallel_loop3A_349 = vector.broadcast %parallel_loop3A_348 : f32 to vector<16xf32>
          %parallel_loop3A_350 = arith.subf %parallel_loop3A_349, %parallel_loop3A_347 : vector<16xf32>
          %parallel_loop3A_351 = arith.mulf %parallel_loop3A_342, %parallel_loop3A_350 : vector<16xf32>
          %parallel_loop3A_352 = arith.mulf %parallel_loop3A_345, %parallel_loop3A_351 : vector<16xf32>
          %parallel_loop3A_353 = arith.mulf %parallel_loop3A_352, %parallel_loop3A_351 : vector<16xf32>
          %parallel_loop3A_354 = arith.constant 1.500000e+00 : f32
          %parallel_loop3A_355 = vector.broadcast %parallel_loop3A_354 : f32 to vector<16xf32>
          %parallel_loop3A_356 = arith.subf %parallel_loop3A_355, %parallel_loop3A_353 : vector<16xf32>
          %parallel_loop3A_357 = arith.mulf %parallel_loop3A_351, %parallel_loop3A_356 : vector<16xf32>
          %parallel_loop3A_358 = arith.constant 1.000000e+00 : f32
          %parallel_loop3A_359 = vector.broadcast %parallel_loop3A_358 : f32 to vector<16xf32>
          %parallel_loop3A_360 = arith.cmpf ogt, %parallel_loop3A_334, %parallel_loop3A_359 : vector<16xf32>
          %parallel_loop3A_361 = arith.constant 1.000000e+00 : f32
          %parallel_loop3A_362 = vector.broadcast %parallel_loop3A_361 : f32 to vector<16xf32>
          %parallel_loop3A_363 = arith.select %parallel_loop3A_360, %parallel_loop3A_357, %parallel_loop3A_362 : vector<16xi1>, vector<16xf32>
          %parallel_loop3A_364 = arith.mulf %parallel_loop3A_299, %parallel_loop3A_363 : vector<16xf32>
          %parallel_loop3A_365 = arith.index_cast %parallel_loop3A_295 : i32 to index
          %parallel_loop3A_366 = arith.constant 0 : index
          %parallel_loop3A_367 = tpu.vector_load %arg8[%parallel_loop3A_365, %parallel_loop3A_366] {strides = array<i32>} : memref<512x64xf32, #tpu.memory_space<vmem>>, vector<1x16xf32>,
          %parallel_loop3A_368 = vector.shape_cast %parallel_loop3A_367 : vector<1x16xf32> to vector<16xf32>
          %parallel_loop3A_369 = vector.shape_cast %parallel_loop3A_364 : vector<16xf32> to vector<1x16xf32>
          tpu.vector_store %arg8[%parallel_loop3A_365, %parallel_loop3A_366], %parallel_loop3A_369 {strides = array<i32>} : memref<512x64xf32, #tpu.memory_space<vmem>>, vector<1x16xf32>,
          %parallel_loop3A_370 = arith.mulf %parallel_loop3A_303, %parallel_loop3A_363 : vector<16xf32>
          %parallel_loop3A_371 = arith.index_cast %parallel_loop3A_295 : i32 to index
          %parallel_loop3A_372 = arith.constant 16 : index
          %parallel_loop3A_373 = tpu.vector_load %arg8[%parallel_loop3A_371, %parallel_loop3A_372] {strides = array<i32>} : memref<512x64xf32, #tpu.memory_space<vmem>>, vector<1x16xf32>,
          %parallel_loop3A_374 = vector.shape_cast %parallel_loop3A_373 : vector<1x16xf32> to vector<16xf32>
          %parallel_loop3A_375 = vector.shape_cast %parallel_loop3A_370 : vector<16xf32> to vector<1x16xf32>
          tpu.vector_store %arg8[%parallel_loop3A_371, %parallel_loop3A_372], %parallel_loop3A_375 {strides = array<i32>} : memref<512x64xf32, #tpu.memory_space<vmem>>, vector<1x16xf32>,
          %parallel_loop3A_376 = arith.mulf %parallel_loop3A_307, %parallel_loop3A_363 : vector<16xf32>
          %parallel_loop3A_377 = arith.index_cast %parallel_loop3A_295 : i32 to index
          %parallel_loop3A_378 = arith.constant 32 : index
          %parallel_loop3A_379 = tpu.vector_load %arg8[%parallel_loop3A_377, %parallel_loop3A_378] {strides = array<i32>} : memref<512x64xf32, #tpu.memory_space<vmem>>, vector<1x16xf32>,
          %parallel_loop3A_380 = vector.shape_cast %parallel_loop3A_379 : vector<1x16xf32> to vector<16xf32>
          %parallel_loop3A_381 = vector.shape_cast %parallel_loop3A_376 : vector<16xf32> to vector<1x16xf32>
          tpu.vector_store %arg8[%parallel_loop3A_377, %parallel_loop3A_378], %parallel_loop3A_381 {strides = array<i32>} : memref<512x64xf32, #tpu.memory_space<vmem>>, vector<1x16xf32>,
          %parallel_loop3A_382 = arith.mulf %parallel_loop3A_311, %parallel_loop3A_363 : vector<16xf32>
          %parallel_loop3A_383 = arith.index_cast %parallel_loop3A_295 : i32 to index
          %parallel_loop3A_384 = arith.constant 48 : index
          %parallel_loop3A_385 = tpu.vector_load %arg8[%parallel_loop3A_383, %parallel_loop3A_384] {strides = array<i32>} : memref<512x64xf32, #tpu.memory_space<vmem>>, vector<1x16xf32>,
          %parallel_loop3A_386 = vector.shape_cast %parallel_loop3A_385 : vector<1x16xf32> to vector<16xf32>
          %parallel_loop3A_387 = vector.shape_cast %parallel_loop3A_382 : vector<16xf32> to vector<1x16xf32>
          tpu.vector_store %arg8[%parallel_loop3A_383, %parallel_loop3A_384], %parallel_loop3A_387 {strides = array<i32>} : memref<512x64xf32, #tpu.memory_space<vmem>>, vector<1x16xf32>,
        } {sc.loop_unroll_factor = 8 : i64, sc.parallel_access}
      } else {
      }
      %mul3A_284 = arith.constant 512 : i32
      %mul3A_285 = arith.muli %add3A_91, %mul3A_284 : i32
      %add3A_286 = arith.addi %mul3A_2, %mul3A_285 : i32
      %multiple_of3A_287 = tpu.assume_multiple %add3A_286, 512 : i32
      %dma_start3A_288 = arith.constant 0 : i32
      %dma_start3A_289 = tpu.memref_slice %arg4[%multiple_of3A_287, %dma_start3A_288] : memref<819200x64xf32, #tpu.memory_space<hbm>> -> memref<512x64xf32, #tpu.memory_space<hbm>>
      %dma_start3A_290 = arith.constant 0 : i32
      %dma_start3A_291 = tpu.memref_slice %arg4[%multiple_of3A_287, %dma_start3A_290] : memref<819200x64xf32, #tpu.memory_space<hbm>> -> memref<512x64xf32, #tpu.memory_space<hbm>>
      tpu.enqueue_dma source(%arg8 : memref<512x64xf32, #tpu.memory_space<vmem>>) target(%dma_start3A_291 : memref<512x64xf32, #tpu.memory_space<hbm>>) target_semaphore(%arg12 : memref<!tpu.dma_semaphore, #tpu.memory_space<semaphore_mem>>)
    }
    %scan3A_74 = arith.constant 25 : i32
    %add3A_75 = arith.constant 25088 : i32
    %add3A_76 = arith.addi %mul3A_2, %add3A_75 : i32
    %multiple_of3A_77 = tpu.assume_multiple %add3A_76, 512 : i32
    %dma_wait3A = arith.constant 0 : i32
    %dma_wait3A_78 = tpu.memref_slice %arg4[%multiple_of3A_77, %dma_wait3A] : memref<819200x64xf32, #tpu.memory_space<hbm>> -> memref<512x64xf32, #tpu.memory_space<hbm>>
    %dma_wait3A_79 = arith.constant 0 : i32
    %dma_wait3A_80 = tpu.memref_slice %arg4[%multiple_of3A_77, %dma_wait3A_79] : memref<819200x64xf32, #tpu.memory_space<hbm>> -> memref<512x64xf32, #tpu.memory_space<hbm>>
    tpu.wait_dma2 semaphore(%arg12 : memref<!tpu.dma_semaphore, #tpu.memory_space<semaphore_mem>>) src(%arg8 : memref<512x64xf32, #tpu.memory_space<vmem>>) dst(%dma_wait3A_80 : memref<512x64xf32, #tpu.memory_space<hbm>>)
    return
  }
}

</mosaic_0001>

<sc_bundles>
// kernel: kernel.3.cloned.1.call-start
scs
__scs_entry_jumppad:
0x0: {  	(pc) =	sbr.rel $0x88, $3  }
0x1: {  	(tag) =	ssettag $0x0;
	lr =	simm.s32 $0x1  }
0x2: {  	[smem:$0x3F9F] =	sst lr;
	_ =	strace $0xD0000000  }
0x3: {  	_ = 	snop  }
0x4: {  	_ = 	snop  }
0x5: {  	_ = 	snop  }
0x6: {  	_ = 	snop  }
0x7: {  	_ = 	snop  }
__scs_overlays_trampoline_lowered:
0x8: {  	[smem:$0x3FAE] =	sst s0  }
0x9: {  	[smem:$0x3FAF] =	sst s1  }
0xa: {  	[smem:$0x3FB0] =	sst s2  }
0xb: {  	[smem:$0x3FB1] =	sst s3  }
0xc: {  	[smem:$0x3FB2] =	sst s4  }
0xd: {  	[smem:$0x3FB3] =	sst s5  }
0xe: {  	[smem:$0x3FB4] =	sst s6  }
0xf: {  	[smem:$0x3FB5] =	sst s7  }
0x10: {  	[smem:$0x3FB6] =	sst s8  }
0x11: {  	[smem:$0x3FB7] =	sst s9;
	s0 =	simm.s32 @!p0 $0x0  }
0x12: {  	s1 =	sld [smem:$0x3F9D];
	s0 =	simm.s32 @p0 $0x1  }
0x13: {  	[smem:$0x3FB8] =	sst s0;
	s0 =	simm.s32 @!p1 $0x0  }
0x14: {  	s2 =	sld [smem:$0x3F9C];
	s0 =	simm.s32 @p1 $0x1  }
0x15: {  	[smem:$0x3FB9] =	sst s0;
	s0 =	simm.s32 @!p2 $0x0  }
0x16: {  	s3 =	sld [smem:$0x3FDB];
	s0 =	simm.s32 @p2 $0x1  }
0x17: {  	s4 =	simm.s32 $0x1BF5;
	[smem:$0x3FBB] =	sst s0  }
0x18: {  	s0 =	sld [smem:$0x3F9E];
	_ =	swait.ge [sflag:s4], $0x0  }
0x19: {  	s7 =	sld [smem:$0x3F9F]  }
0x1a: {  	s8 =	sadd.s32 $0xFFFFE003, lr  }
0x1b: {  	s9 =	sadd.s32 $0xFFFFFEF7, lr;
	s5 =	simm.s32 $0xFFFFFFFF;
	p2 =	slt.u32 s8, $0xFFFFF086  }
0x1c: {  	p1 =	slt.u32 s9, $0xF7A;
	s5 =	simm.s32 @!p2 $0x0  }
0x1d: {  	s5 =	simm.s32 @p1 $0x1;
	p0 =	seq.s32 s7, s2  }
0x1e: {  	s7 =	smul.u32 @!p0 $0xF7A, s2;
	p2 =	seq.s32 @!p0 s5, $0x0  }
0x1f: {  	s9 =	smul.u32 $0xF7A, s1;
	s8 =	simm.s32 @!p0 $0x1BF5;
	p2 =	por !p2, p0  }
0x20: {  	[sflag:s8] =	ssyncset.s32 @!p0 $0xFFFFF086;
	s6 =	sadd.s32 @!p0 s3, s7;
	s7 =	simm.s32 @!p0 $0x108  }
0x21: {  	s3 =	sadd.s32 s3, s9;
	s6 =	sadd.s32 @!p0 $0x88, s6;
	s7 =	simm.s32 @p2 $0x1082  }
0x22: {  	[simem:s7], [sflag:s8] =	dma.local @!p0 [hbm:s6], $0xF7A  }
0x23: {  	s9 =	sor.u32 $0xD0000000, s2;
	s6 =	simm.s32 $0x108;
	_ =	swait.ge @!p0 [sflag:s8], $0x0  }
0x24: {  	s3 =	sadd.s32 $0x88, s3;
	s6 =	simm.s32 @!p1 $0x1082;
	[sflag:s4] =	ssyncset.s32 $0xFFFFF086  }
0x25: {  	[simem:s6], [sflag:s4] =	dma.local [hbm:s3], $0xF7A  }
0x26: {  	[smem:$0x3F9F] =	sst s1;
	(tag) =	ssettag s2;
	_ =	strace s9  }
0x27: {  	s1 =	sld [smem:$0x3FAF]  }
0x28: {  	s2 =	sld [smem:$0x3FB0]  }
0x29: {  	s4 =	sld [smem:$0x3FB2]  }
0x2a: {  	p0 =	seq.s32 s5, $0x0;
	s5 =	sld [smem:$0x3FB3]  }
0x2b: {  	s6 =	sld [smem:$0x3FB4]  }
0x2c: {  	s7 =	sld [smem:$0x3FB5]  }
0x2d: {  	s3 =	simm.s32 $0x108;
	s8 =	sld [smem:$0x3FB6]  }
0x2e: {  	s3 =	simm.s32 @!p0 $0x1082;
	s9 =	sld [smem:$0x3FB7]  }
0x2f: {  	lr =	sadd.s32 s0, s3;
	s0 =	sld [smem:$0x3FAE]  }
0x30: {  	s3 =	sld [smem:$0x3FB1]  }
0x31: {  	[smem:$0x3FBA] =	sst s10  }
0x32: {  	s10 =	sld [smem:$0x3FB8];
	_ =	sdelay $0x3  }
0x33: {  	p0 =	seq.s32 s10, $0x1;
	s10 =	sld [smem:$0x3FBA];
	_ =	sdelay $0x3  }
0x34: {  	[smem:$0x3FBA] =	sst s10  }
0x35: {  	s10 =	sld [smem:$0x3FB9];
	_ =	sdelay $0x3  }
0x36: {  	p1 =	seq.s32 s10, $0x1;
	s10 =	sld [smem:$0x3FBA];
	_ =	sdelay $0x3  }
0x37: {  	[smem:$0x3FBA] =	sst s10  }
0x38: {  	s10 =	sld [smem:$0x3FBB]  }
0x39: {  	_ = 	snop;
	(pc) =	sbr.ind lr, $3  }
0x3a: {  	_ = 	snop  }
0x3b: {  	_ = 	snop  }
0x3c: {  	p2 =	seq.s32 s10, $0x1;
	s10 =	sld [smem:$0x3FBA]  }
0x3d: {  	_ =	shalt  }
0x3e: {  	_ =	shalt  }
0x3f: {  	_ =	shalt  }
0x40: {  	_ =	shalt  }
0x41: {  	_ =	shalt  }
0x42: {  	_ =	shalt  }
0x43: {  	_ =	shalt  }
0x44: {  	_ =	shalt  }
0x45: {  	_ =	shalt  }
0x46: {  	_ =	shalt  }
0x47: {  	_ =	shalt  }
0x48: {  	_ =	shalt  }
0x49: {  	_ =	shalt  }
0x4a: {  	_ =	shalt  }
0x4b: {  	_ =	shalt  }
0x4c: {  	_ =	shalt  }
0x4d: {  	_ =	shalt  }
0x4e: {  	_ =	shalt  }
0x4f: {  	_ =	shalt  }
0x50: {  	_ =	shalt  }
0x51: {  	_ =	shalt  }
0x52: {  	_ =	shalt  }
0x53: {  	_ =	shalt  }
0x54: {  	_ =	shalt  }
0x55: {  	_ =	shalt  }
0x56: {  	_ =	shalt  }
0x57: {  	_ =	shalt  }
0x58: {  	_ =	shalt  }
0x59: {  	_ =	shalt  }
0x5a: {  	_ =	shalt  }
0x5b: {  	_ =	shalt  }
0x5c: {  	_ =	shalt  }
0x5d: {  	_ =	shalt  }
0x5e: {  	_ =	shalt  }
0x5f: {  	_ =	shalt  }
0x60: {  	_ =	shalt  }
0x61: {  	_ =	shalt  }
0x62: {  	_ =	shalt  }
0x63: {  	_ =	shalt  }
0x64: {  	_ =	shalt  }
0x65: {  	_ =	shalt  }
0x66: {  	_ =	shalt  }
0x67: {  	_ =	shalt  }
0x68: {  	_ =	shalt  }
0x69: {  	_ =	shalt  }
0x6a: {  	_ =	shalt  }
0x6b: {  	_ =	shalt  }
0x6c: {  	_ =	shalt  }
0x6d: {  	_ =	shalt  }
0x6e: {  	_ =	shalt  }
0x6f: {  	_ =	shalt  }
0x70: {  	_ =	shalt  }
0x71: {  	_ =	shalt  }
0x72: {  	_ =	shalt  }
0x73: {  	_ =	shalt  }
0x74: {  	_ =	shalt  }
0x75: {  	_ =	shalt  }
0x76: {  	_ =	shalt  }
0x77: {  	_ =	shalt  }
0x78: {  	_ =	shalt  }
0x79: {  	_ =	shalt  }
0x7a: {  	_ =	shalt  }
0x7b: {  	_ =	shalt  }
0x7c: {  	_ =	shalt  }
0x7d: {  	_ =	shalt  }
0x7e: {  	_ =	shalt  }
0x7f: {  	_ =	shalt  }
0x80: {  	_ =	shalt  }
0x81: {  	_ =	shalt  }
0x82: {  	_ =	shalt  }
0x83: {  	_ =	shalt  }
0x84: {  	_ =	shalt  }
0x85: {  	_ =	shalt  }
0x86: {  	_ =	shalt  }
0x87: {  	_ =	shalt  }
.Lfunc_end0:
.L_simem_size_0:
called_computation.1_lowered:
.L_overlay_start_0:
0x88: {  	s2 =	sld [smem:$0x3FD9]  }
0x89: {  	s3 =	sld [smem:$0x3FFE];
	_ =	sdelay $0x1  }
0x8a: {  	s1 =	srdreg.scid  }
0x8b: {  	s0 =	sand.u32 $0x1, s1  }
0x8c: {  	s17 =	sshll.u32 s0, $0xA;
	s2 =	sadd.s32 s3, s2  }
0x8d: {  	s2 =	sadd.s32 s2, s17  }
0x8e: {  	[smem:$0x3FC6] =	sst s2  }
0x8f: {  	_ = 	snop  }
0x90: {  	s2 =	sld [smem:$0x3FD0];
	(tm) =	ssettm $0x1  }
0x91: {  	s18 =	sld [smem:$0x3FFB];
	_ =	sdelay $0x3  }
0x92: {  	_ =	strace s18  }
0x93: {  	s3 =	sld [smem:$0x3FFC];
	_ =	sdelay $0x3  }
0x94: {  	_ =	strace s3  }
0x95: {  	s3 =	sld [smem:$0x3FFD];
	_ =	sdelay $0x3  }
0x96: {  	_ =	strace s3  }
0x97: {  	_ =	strace $0x8FFFFFFF  }
0x98: {  	s19 =	sld [smem:$0x3FDB];
	_ =	sdelay $0x1  }
0x99: {  	s4 =	simm.s32 $_scs_section_size  }
0x9a: {  	s5 =	simm.s32 $_size__tile_overlayer_lowered;
	s6 =	simm.s32 $_tile_overlayer_lowered  }
0x9b: {  	s22 =	simm.s32 $0x1BFF;
	s21 =	sshll.u32 s6, $0x1;
	s3 =	sadd.s32 s4, s19  }
0x9c: {  	s7 =	simm.s32 $0x0;
	s20 =	sshll.u32 s5, $0x1;
	s5 =	sadd.s32 s21, s3  }
0x9d: {  	[timem:s7], [sflag:s22] =	dma.local [hbm:s5], s20  }
0x9e: {  	_ =	swait.ge [sflag:s22], s20  }
0x9f: {  	s4 =	ssub.s32 $0x0, s20;
	[sflag:s22] =	ssyncset.done $0x0  }
0xa0: {  	[sflag:s22] =	ssyncadd.s32 s4;
	_ =	sdelay $0x1  }
0xa1: {  	s23 =	simm.s32 $0x1B8B  }
0xa2: {  	_ =	swait.ge [sflag:s23], $0x1  }
0xa3: {  	[sflag:s23] =	ssyncset.done $0x0  }
0xa4: {  	s25 =	simm.s32 $0x1B8E;
	s24 =	sld [smem:$0x3FFE];
	[sflag:s23] =	ssyncadd.s32 $0xFFFFFFFF  }
0xa5: {  	s26 =	simm.s32 $execute0_lowered;
	[smem:$0x3FD2] =	sst s25  }
0xa6: {  	s5 =	sshll.u32 s26, $0x1;
	_ =	strace $0x80000046;
	[dreg:$0x1] =	wrdreg $0xFFFFFFFF  }
0xa7: {  	s28 =	simm.s32 $_size_execute0_lowered;
	s3 =	sadd.s32 s3, s5;
	[dreg:$0x0] =	wrdreg $0x0  }
0xa8: {  	s5 =	sshll.u32 s28, $0x1;
	[dreg:$0x2] =	wrdreg s3  }
0xa9: {  	[dreg:$0x3] =	wrdreg s5  }
0xaa: {  	[dreg:$0x4] =	wrdreg $0xC0  }
0xab: {  	_ =	task [dreg:s7], $0x5FFFF  }
0xac: {  	[dreg:$0x1] =	wrdreg $0xFFFFFFFF  }
0xad: {  	[dreg:$0x0] =	wrdreg $0x60  }
0xae: {  	[dreg:$0x2] =	wrdreg s24  }
0xaf: {  	[dreg:$0x3] =	wrdreg s2  }
0xb0: {  	[dreg:$0x4] =	wrdreg $0x9  }
0xb1: {  	_ =	task.clear_ibuf [dreg:s7], $0x5FFFF;
	_ =	strace $0x90000046  }
0xb2: {  	s29 =	simm.s32 $0x9;
	_ =	strace $0x80000048  }
0xb3: {  	_ =	swait.ge [sflag:s29], $0x1  }
0xb4: {  	[sflag:s29] =	ssyncadd.s32 $0xFFFFFFFF  }
0xb5: {  	_ =	strace $0x90000048  }
0xb6: {  	_ =	sfence  }
0xb7: {  	s30 =	sld [smem:$0x0];
	_ =	sdelay $0x2  }
0xb8: {  	s31 =	sshll.u32 s1, $0xD;
	s1 =	sshrl.u32 s1, $0x2  }
0xb9: {  	s3 =	sand.u32 $0x4000, s31;
	s1 =	sadd.s32 s1, s30  }
0xba: {  	s0 =	sor.u32 s3, s0;
	s1 =	sshll.u32 s1, $0x11  }
0xbb: {  	s0 =	sor.u32 s1, s0  }
0xbc: {  	s0 =	sadd.s32 $0x8F2B, s0  }
0xbd: {  	[sflag:s0] =	ssyncadd.remote.s32 $0x1  }
0xbe: {  	_ =	sfence.sel $0xFFFF  }
0xbf: {  	[dreg:$0x0] =	wrdreg $0xFFFFFFFF;
	(pc) =	sbr.abs _section_cstart, $3  }
0xc0: {  	[dreg:$0x1] =	wrdreg $0xFFFFFFFF  }
0xc1: {  	_ =	task.clear_ibuf [dreg:s7], $0x2FFFF;
	_ =	strace $0x9FFFFFFF  }
0xc2: {  	(tm) =	ssettm $0x7FFFFFFF  }
0xc3: {  	_ =	shalt  }
tec
execute0_lowered:
.L_overlay_start_1:
0x0: {  	(tag) =	ssettag $0x1  }
0x1: {  	s0 =	rddreg [dreg:$0x0]  }
0x2: {  	s1 =	rddreg [dreg:$0x1]  }
0x3: {  	s3 =	simm.s32 $0x0;
	s2 =	srdreg.scid;
	s4 =	stileid.u32;
	v0 =	vimm.s32 $0xFEDCBA98;
	v1 =	vimm.s32 $0x76543210;
	v3 =	vimm.s32 $0x32107654  }
0x4: {  	v4 =	vimm.s32 $0xDCFE98BA;
	v5 =	vimm.s32 $0x54761032;
	s11 =	simm.s32 $0x5;
	s12 =	simm.s32 $0x80;
	s13 =	simm.s32 $0x400  }
0x5: {  	v6 =	vimm.s32 $0xEFCDAB89;
	v7 =	vimm.s32 $0x67452301;
	s19 =	simm.s32 $0x1;
	s20 =	simm.s32 $0x200;
	s21 =	simm.s32 $0x8400;
	v0 =	vunpack.c.l.s4.s8 v0  }
0x6: {  	s22 =	simm.s32 $0x280;
	s23 =	simm.s32 $0xA400;
	s24 =	simm.s32 $0x300;
	v1 =	vunpack.c.l.s4.s8 v1;
	v3 =	vunpack.c.l.s4.s8 v3;
	v6 =	vunpack.c.l.s4.s8 v6  }
0x7: {  	s25 =	simm.s32 $0xC400;
	s28 =	simm.s32 $0xE400;
	s29 =	simm.s32 $0x2;
	v7 =	vunpack.c.l.s4.s8 v7;
	v2 =	vunpack.c.0.s8.s32 v0;
	v0 =	vimm.s32 $0xBA98FEDC  }
0x8: {  	s30 =	simm.s32 $0x3;
	s31 =	simm.s32 $0x4;
	[smem:$0x7FF] =	sst s3;
	v4 =	vunpack.c.l.s4.s8 v4;
	v5 =	vunpack.c.l.s4.s8 v5;
	v0 =	vunpack.c.l.s4.s8 v0  }
0x9: {  	s2 =	sand.u32 $0x1, s2;
	s5 =	sshll.u32 s4, $0x1;
	s4 =	sadd.s32 $0xA00, s0;
	v3 =	vunpack.c.0.s8.s32 v3;
	v6 =	vunpack.c.0.s8.s32 v6;
	v7 =	vunpack.c.0.s8.s32 v7  }
.Ltmp0:
0xa: {  	s7 =	ssub.s32 $0x2, s2;
	s2 =	sor.u32 s2, s5;
	v4 =	vunpack.c.0.s8.s32 v4;
	v5 =	vunpack.c.0.s8.s32 v5;
	v0 =	vunpack.c.0.s8.s32 v0;
	(pc) =	sbr.rel .LBB2_1-.Ltmp0, $4  }
0xb: {  	_ =	strace $0x80000047;
	s26 =	sshrl.u32 s7, $0x1;
	s6 =	smul.u32 $0x6400, s2;
	v8 =	vand.u32 $0xF, v2;
	v2 =	vcombine.low v7, v6  }
0xc: {  	s5 =	sadd.s32 $0xF42E00, s0;
	s0 =	ssub.s32 s7, s26;
	s7 =	smul.u32 $0x190000, s2;
	v0 =	vcombine.low v3, v0;
	v3 =	vunpack.c.0.s8.s32 v1;
	v1 =	vcombine.low v5, v4  }
0xd: {  	s26 =	simm.s32 $0x380;
	s9 =	sshrl.u32 s6, $0x3;
	s8 =	sadd.s32 $0x400, s6;
	v6 =	vand.u32 $0xF, v2  }
0xe: {  	s10 =	smax.u32 s0, $0x1;
	s0 =	simm.s32 $0x0;
	s9 =	sadd.s32 s4, s9;
	v3 =	vcombine.low v8, v3;
	v4 =	vand.u32 $0xF, v0;
	v5 =	vand.u32 $0xF, v1  }
.LBB2_15:
0xf: {  	s0 =	sadd.s32 $0x1, s0  }
0x10: {  	p0 =	sne.s32 s0, s10  }
.Ltmp1:
0x11: {  	_ = 	snop;
	(pc) =	sbr.rel @!p0 .LBB2_16-.Ltmp1, $4  }
0x12: {  	_ = 	snop  }
0x13: {  	_ =	swait.ge [sflag:s31], $0x8000  }
0x14: {  	[sflag:s31] =	ssyncset.done $0x0  }
0x15: {  	[sflag:s31] =	ssyncadd.s32 $0xFFFF8000  }
.LBB2_1:
0x16: {  	[tilespmem:s3], [sflag:$0x5] =	stream.linear.gather [hbm4b:s9+s3], $0x200, $0x38;
	[tilespmem:$0x10400] =	vst v63  }
0x17: {  	_ =	swait.ge [sflag:s11], $0x200  }
0x18: {  	[sflag:s11] =	ssyncset.done $0x0  }
0x19: {  	[sflag:s11] =	ssyncadd.s32 $0xFFFFFE00  }
0x1a: {  	[tilespmem:s13], [sflag:$0x1] =	stream.indirect.gather [hbm4b:s5+s12], $0x40, s3, s12, $0xb8;
	[tilespmem:$0x10400] =	vst v63  }
0x1b: {  	s2 =	simm.s32 $0x2400  }
0x1c: {  	[tilespmem:s2], [sflag:$0x1] =	stream.indirect.gather [hbm4b:s5+s12], $0x40, s12, s12, $0xb8;
	[tilespmem:$0x10400] =	vst v63  }
.Ltmp2:
0x1d: {  	_ = 	snop;
	(pc) =	sbr.rel .LBB2_2-.Ltmp2, $4  }
0x1e: {  	s16 =	simm.s32 $0x100;
	s14 =	simm.s32 $0x4400  }
0x1f: {  	[tilespmem:s14], [sflag:$0x1] =	stream.indirect.gather [hbm4b:s5+s12], $0x40, s16, s12, $0xb8;
	[tilespmem:$0x10400] =	vst v63  }
0x20: {  	s17 =	simm.s32 $0x180;
	s18 =	simm.s32 $0x6400;
	s2 =	simm.s32 $0x0  }
0x21: {  	[tilespmem:s18], [sflag:$0x1] =	stream.indirect.gather [hbm4b:s5+s12], $0x40, s17, s12, $0xb8;
	[tilespmem:$0x10400] =	vst v63  }
.LBB2_14:
0x22: {  	s2 =	sadd.s32 $0x1, s2  }
0x23: {  	p0 =	sne.s32 s2, $0x19  }
.Ltmp3:
0x24: {  	_ = 	snop;
	(pc) =	sbr.rel @!p0 .LBB2_15-.Ltmp3, $4  }
0x25: {  	s14 =	sshll.u32 s14, $0x3  }
0x26: {  	s14 =	sand.u32 $0x1FFFF000, s14  }
0x27: {  	s14 =	sadd.s32 s1, s14  }
0x28: {  	[hbm4b:s14+s3] =	stream.linear.scatter [tilespmem:s21], [sflag:$0x4], $0x8000, $0x38;
	[tilespmem:$0x10400] =	vst v63  }
.LBB2_2:
0x29: {  	_ =	swait.ge [sflag:s19], $0x2000  }
0x2a: {  	[sflag:s19] =	ssyncset.done $0x0  }
0x2b: {  	[sflag:s19] =	ssyncadd.s32 $0xFFFFE000  }
0x2c: {  	_ =	swait.ge [sflag:s19], $0x2000  }
0x2d: {  	[sflag:s19] =	ssyncset.done $0x0  }
0x2e: {  	[sflag:s19] =	ssyncadd.s32 $0xFFFFE000  }
0x2f: {  	_ =	swait.ge [sflag:s19], $0x2000  }
0x30: {  	[sflag:s19] =	ssyncset.done $0x0  }
0x31: {  	[sflag:s19] =	ssyncadd.s32 $0xFFFFE000  }
0x32: {  	_ =	swait.ge [sflag:s19], $0x2000  }
0x33: {  	s15 =	sshll.u32 s2, $0xA;
	p0 =	seq.s32 s2, $0x0;
	[sflag:s19] =	ssyncset.done $0x0  }
0x34: {  	s16 =	simm.s32 @!p0 $0x4;
	s14 =	sadd.s32 s15, s6;
	[sflag:s19] =	ssyncadd.s32 $0xFFFFE000  }
0x35: {  	s14 =	sadd.s32 $0x200, s14;
	_ =	swait.ge @!p0 [sflag:s16], $0x8000  }
0x36: {  	s17 =	sshrl.u32 s14, $0x3;
	[sflag:s16] =	ssyncset.done @!p0 $0x0  }
0x37: {  	s18 =	simm.s32 $0x0;
	s17 =	sadd.s32 s4, s17;
	[sflag:s16] =	ssyncadd.s32 @!p0 $0xFFFF8000  }
0x38: {  	[tilespmem:s20], [sflag:$0x5] =	stream.linear.gather [hbm4b:s17+s18], $0x200, $0x38;
	[tilespmem:$0x10400] =	vst v63  }
0x39: {  	_ =	swait.ge [sflag:s11], $0x200  }
0x3a: {  	[sflag:s11] =	ssyncset.done $0x0  }
0x3b: {  	[sflag:s11] =	ssyncadd.s32 $0xFFFFFE00  }
0x3c: {  	[tilespmem:s21], [sflag:$0x2] =	stream.indirect.gather [hbm4b:s5+s12], $0x40, s20, s12, $0xb8;
	[tilespmem:$0x10400] =	vst v63  }
0x3d: {  	_ = 	snop  }
0x3e: {  	[tilespmem:s23], [sflag:$0x2] =	stream.indirect.gather [hbm4b:s5+s12], $0x40, s22, s12, $0xb8;
	[tilespmem:$0x10400] =	vst v63  }
0x3f: {  	_ = 	snop  }
0x40: {  	[tilespmem:s25], [sflag:$0x2] =	stream.indirect.gather [hbm4b:s5+s12], $0x40, s24, s12, $0xb8;
	[tilespmem:$0x10400] =	vst v63  }
0x41: {  	s17 =	simm.s32 $0x0  }
0x42: {  	[tilespmem:s28], [sflag:$0x2] =	stream.indirect.gather [hbm4b:s5+s12], $0x40, s26, s12, $0xb8;
	[tilespmem:$0x10400] =	vst v63  }
0x43: {  	v7 =	vld [tilespmem:s17+$0x400]  }
0x44: {  	v8 =	vld [tilespmem:s17+$0x410];
	_ =	sdelay $0x1  }
0x45: {  	v9 =	vld [tilespmem:s17+$0x420];
	_ =	sdelay $0x1  }
0x46: {  	s18 =	simm.s32 $0x40;
	v10 =	vld [tilespmem:s17+$0x430]  }
0x47: {  	v11 =	vld [tilespmem:s18+$0x400];
	v7 =	vmul.f32 v7, v7;
	v8 =	vmul.f32 v8, v8  }
0x48: {  	v12 =	vld [tilespmem:s18+$0x410]  }
0x49: {  	v7 =	vadd.f32 v8, v7;
	v8 =	vmul.f32 v9, v9  }
0x4a: {  	s16 =	simm.s32 $0x80;
	v9 =	vld [tilespmem:s18+$0x420]  }
0x4b: {  	v13 =	vld [tilespmem:s16+$0x400];
	v7 =	vadd.f32 v8, v7;
	v8 =	vmul.f32 v10, v10  }
0x4c: {  	v10 =	vld [tilespmem:s18+$0x430]  }
0x4d: {  	v11 =	vmul.f32 v11, v11;
	v12 =	vmul.f32 v12, v12;
	v7 =	vadd.f32 v8, v7;
	v8 =	vld [tilespmem:s16+$0x410];
	_ =	sdelay $0x1  }
0x4e: {  	v11 =	vadd.f32 v12, v11;
	v12 =	vld [tilespmem:s16+$0x420];
	v9 =	vmul.f32 v9, v9;
	v14 =	vperm.xlane v7, v3;
	_ =	sdelay $0x1  }
0x4f: {  	s18 =	simm.s32 $0xC0;
	v9 =	vadd.f32 v9, v11;
	v10 =	vmul.f32 v10, v10;
	v11 =	vld [tilespmem:s16+$0x430];
	v7 =	vadd.f32 v7, v14  }
0x50: {  	v13 =	vmul.f32 v13, v13;
	v14 =	vld [tilespmem:s18+$0x400];
	v8 =	vmul.f32 v8, v8  }
0x51: {  	v9 =	vadd.f32 v10, v9;
	v10 =	vld [tilespmem:s18+$0x410];
	v15 =	vperm.xlane v7, v0  }
0x52: {  	v12 =	vmul.f32 v12, v12;
	v8 =	vadd.f32 v8, v13;
	v13 =	vld [tilespmem:s18+$0x420]  }
0x53: {  	v16 =	vperm.xlane v9, v3;
	v7 =	vadd.f32 v7, v15  }
0x54: {  	v11 =	vmul.f32 v11, v11;
	v8 =	vadd.f32 v12, v8  }
0x55: {  	v17 =	vld [tilespmem:s18+$0x430];
	s16 =	simm.s32 $0x100;
	v9 =	vadd.f32 v9, v16;
	v12 =	vperm.xlane v7, v1  }
0x56: {  	v14 =	vmul.f32 v14, v14;
	v15 =	vmul.f32 v10, v10;
	v10 =	vadd.f32 v11, v8;
	v11 =	vld [tilespmem:s16+$0x400]  }
0x57: {  	v16 =	vperm.xlane v9, v0;
	v8 =	vadd.f32 v7, v12;
	v19 =	vmul.f32 v13, v13;
	v13 =	vld [tilespmem:s16+$0x410]  }
0x58: {  	v18 =	vadd.f32 v15, v14  }
0x59: {  	v14 =	vld [tilespmem:s16+$0x420];
	v15 =	vperm.xlane v10, v3;
	v9 =	vadd.f32 v9, v16;
	v12 =	vperm.xlane v8, v2  }
0x5a: {  	s17 =	simm.s32 $0x500;
	v17 =	vmul.f32 v17, v17;
	v7 =	vimm.f32 $0.0e+00;
	v16 =	vadd.f32 v19, v18  }
.LBB2_3:
0x5b: {  	v18 =	vld [tilespmem:s16+$0x430];
	s16 =	sshra.s32 s17, $0x2;
	v19 =	vadd.f32 v10, v15;
	v15 =	vperm.xlane v9, v1;
	v12 =	vadd.f32 v8, v12;
	p0 =	sne.s32 s17, $0x1FF00  }
.Ltmp4:
0x5c: {  	v20 =	vmul.f32 v11, v11;
	v11 =	vld [tilespmem:s16+$0x400];
	v21 =	vmul.f32 v13, v13;
	v10 =	vadd.f32 v17, v16;
	(pc) =	sbr.rel @p0 .LBB2_3-.Ltmp4, $4  }
0x5d: {  	s17 =	sadd.s32 $0x100, s17;
	v13 =	vld [tilespmem:s16+$0x410];
	v16 =	vperm.xlane v19, v0;
	v8 =	vadd.f32 v9, v15;
	v7 =	vmax.f32 v7, v12  }
0x5e: {  	v17 =	vadd.f32 v21, v20;
	v20 =	vmul.f32 v14, v14  }
0x5f: {  	v15 =	vperm.xlane v10, v3;
	v14 =	vld [tilespmem:s16+$0x420];
	v9 =	vadd.f32 v19, v16;
	v12 =	vperm.xlane v8, v2  }
0x60: {  	v16 =	vadd.f32 v20, v17;
	v17 =	vmul.f32 v18, v18  }
0x61: {  	v18 =	vld [tilespmem:s16+$0x430]  }
0x62: {  	v11 =	vmul.f32 v11, v11;
	v13 =	vmul.f32 v13, v13;
	_ =	sdelay $0x1  }
0x63: {  	v11 =	vadd.f32 v13, v11;
	v49 =	vmul.f32 v14, v14;
	_ =	sdelay $0x1  }
0x64: {  	v11 =	vadd.f32 v49, v11;
	v50 =	vmul.f32 v18, v18  }
0x65: {  	v51 =	vadd.f32 v17, v16  }
0x66: {  	v11 =	vadd.f32 v50, v11  }
0x67: {  	v52 =	vperm.xlane v51, v3  }
0x68: {  	v10 =	vadd.f32 v10, v15;
	v53 =	vperm.xlane v11, v3  }
0x69: {  	v13 =	vadd.f32 v51, v52  }
0x6a: {  	v54 =	vperm.xlane v10, v0;
	v11 =	vadd.f32 v11, v53  }
0x6b: {  	v55 =	vperm.xlane v13, v0  }
0x6c: {  	v10 =	vadd.f32 v10, v54;
	v56 =	vperm.xlane v11, v0  }
0x6d: {  	v57 =	vperm.xlane v9, v1;
	v13 =	vadd.f32 v13, v55  }
0x6e: {  	v58 =	vperm.xlane v10, v1;
	v11 =	vadd.f32 v11, v56  }
0x6f: {  	v9 =	vadd.f32 v9, v57;
	v59 =	vperm.xlane v13, v1  }
0x70: {  	v10 =	vadd.f32 v10, v58;
	v60 =	vperm.xlane v11, v1  }
0x71: {  	v16 =	vperm.xlane v9, v2;
	v13 =	vadd.f32 v13, v59  }
0x72: {  	v8 =	vadd.f32 v8, v12;
	v61 =	vperm.xlane v10, v2;
	v11 =	vadd.f32 v11, v60  }
0x73: {  	v9 =	vadd.f32 v9, v16;
	v14 =	vperm.xlane v13, v2  }
0x74: {  	v7 =	vmax.f32 v7, v8;
	v8 =	vadd.f32 v10, v61;
	v62 =	vperm.xlane v11, v2  }
0x75: {  	v7 =	vmax.f32 v7, v9;
	v63 =	vadd.f32 v13, v14  }
0x76: {  	v7 =	vmax.f32 v7, v8;
	v8 =	vadd.f32 v11, v62  }
0x77: {  	v7 =	vmax.f32 v7, v63  }
0x78: {  	v7 =	vmax.f32 v7, v8  }
0x79: {  	(v2sf) =	vpush v7, $0x0;
	_ =	sdelay $0xe  }
0x7a: {  	s18 =	spop (v2sf)  }
0x7b: {  	p0 =	sgt.f32 s18, $1.000000000e+00  }
.Ltmp5:
0x7c: {  	_ = 	snop;
	(pc) =	sbr.rel @!p0 .LBB2_8-.Ltmp5, $1  }
0x7d: {  	_ =	sdelay $0x3  }
0x7e: {  	s16 =	simm.s32 $0x500  }
0x7f: {  	v24 =	vld [tilespmem:s16+$0xFFFFFF10];
	_ =	sdelay $0x3  }
0x80: {  	v9 =	vld [tilespmem:s16+$0xC0]  }
0x81: {  	v7 =	vld [tilespmem:s16+$0xD0];
	[tilespmem:$0x1FFE0] =	vst v24  }
0x82: {  	v8 =	vld [tilespmem:s16+$0xE0]  }
0x83: {  	v18 =	vld [tilespmem:s16+$0xFFFFFF40]  }
0x84: {  	v39 =	vld [tilespmem:s16+$0xF0]  }
0x85: {  	v21 =	vld [tilespmem:s16+$0xFFFFFF50]  }
0x86: {  	v20 =	vld [tilespmem:s16+$0xFFFFFF80]  }
0x87: {  	v19 =	vld [tilespmem:s16+$0xFFFFFF90]  }
0x88: {  	v17 =	vld [tilespmem:s16+$0xFFFFFFC0]  }
0x89: {  	v10 =	vmul.f32 v9, v9;
	v11 =	vmul.f32 v7, v7;
	v16 =	vld [tilespmem:s16+$0xFFFFFFD0]  }
0x8a: {  	v14 =	vld [tilespmem:s16+$0x0]  }
0x8b: {  	v37 =	vld [tilespmem:s16+$0xFFFFFF00];
	v10 =	vadd.f32 v11, v10;
	v11 =	vmul.f32 v8, v8  }
0x8c: {  	v13 =	vld [tilespmem:s16+$0x10]  }
0x8d: {  	v15 =	vld [tilespmem:s16+$0x80];
	v10 =	vadd.f32 v11, v10;
	v11 =	vmul.f32 v39, v39  }
0x8e: {  	v12 =	vld [tilespmem:s16+$0x90]  }
0x8f: {  	v22 =	vadd.f32 v11, v10;
	v11 =	vld [tilespmem:s16+$0x40]  }
0x90: {  	v10 =	vld [tilespmem:s16+$0x50];
	[tilespmem:$0x1FFD0] =	vst v37  }
0x91: {  	v36 =	vld [tilespmem:s16+$0xFFFFFF20];
	_ =	sdelay $0x3  }
0x92: {  	v23 =	vperm.xlane v22, v3  }
0x93: {  	v25 =	vmul.f32 v24, v24;
	[tilespmem:$0x1FFF0] =	vst v36  }
0x94: {  	v24 =	vmul.f32 v18, v18;
	v22 =	vadd.f32 v22, v23;
	v23 =	vmul.f32 v21, v21;
	v29 =	vld [tilespmem:s16+$0xFFFFFF60]  }
0x95: {  	v33 =	vmul.f32 v14, v14;
	v34 =	vmul.f32 v13, v13;
	v27 =	vld [tilespmem:s16+$0xFFFFFFA0]  }
0x96: {  	v28 =	vmul.f32 v20, v20;
	v30 =	vmul.f32 v19, v19;
	v31 =	vadd.f32 v23, v24;
	v24 =	vld [tilespmem:s16+$0x20]  }
0x97: {  	v32 =	vmul.f32 v16, v16;
	v43 =	vadd.f32 v34, v33;
	v26 =	vperm.xlane v22, v4;
	v34 =	vld [tilespmem:s16+$0xFFFFFF30]  }
0x98: {  	v58 =	vmul.f32 v37, v37;
	v23 =	vmul.f32 v17, v17;
	v33 =	vld [tilespmem:s16+$0xFFFFFF70]  }
0x99: {  	v59 =	vmul.f32 v15, v15;
	v28 =	vadd.f32 v30, v28;
	v35 =	vadd.f32 v22, v26;
	v26 =	vld [tilespmem:s16+$0xFFFFFFE0]  }
0x9a: {  	v30 =	vmul.f32 v11, v11;
	v40 =	vmul.f32 v10, v10;
	v41 =	vadd.f32 v32, v23;
	v23 =	vld [tilespmem:s16+$0x60]  }
0x9b: {  	v44 =	vmul.f32 v12, v12;
	v25 =	vadd.f32 v25, v58;
	v45 =	vmul.f32 v36, v36;
	v22 =	vld [tilespmem:s16+$0xA0]  }
0x9c: {  	v40 =	vadd.f32 v40, v30;
	v42 =	vperm.xlane v35, v5;
	v30 =	vmul.f32 v29, v29  }
0x9d: {  	v60 =	vadd.f32 v44, v59;
	v32 =	vld [tilespmem:s16+$0xFFFFFFB0];
	v61 =	vmul.f32 v27, v27;
	v48 =	vmul.f32 v24, v24  }
0x9e: {  	v45 =	vadd.f32 v45, v25;
	v50 =	vmul.f32 v34, v34;
	v51 =	vmul.f32 v33, v33  }
0x9f: {  	v35 =	vadd.f32 v35, v42;
	v46 =	vmul.f32 v26, v26;
	v49 =	vmul.f32 v23, v23  }
0xa0: {  	v62 =	vmul.f32 v22, v22;
	v47 =	vadd.f32 v30, v31;
	v44 =	vadd.f32 v61, v28  }
0xa1: {  	v25 =	vperm.xlane v35, v6;
	v31 =	vld [tilespmem:s16+$0xFFFFFFF0];
	v43 =	vadd.f32 v48, v43;
	v45 =	vadd.f32 v50, v45  }
0xa2: {  	v52 =	vmul.f32 v32, v32;
	v30 =	vld [tilespmem:s16+$0x30];
	v41 =	vadd.f32 v46, v41;
	v40 =	vadd.f32 v49, v40  }
0xa3: {  	v28 =	vld [tilespmem:s16+$0x70];
	v38 =	vadd.f32 v35, v25;
	v47 =	vadd.f32 v51, v47  }
0xa4: {  	v42 =	vadd.f32 v62, v60;
	v25 =	vld [tilespmem:s16+$0xB0];
	v44 =	vadd.f32 v52, v44;
	v58 =	vperm.xlane v45, v3  }
0xa5: {  	v63 =	vshra.s32 v38, $0x1;
	v35 =	vmul.f32 $5.000000000e-01, v38;
	v59 =	vperm.xlane v47, v3  }
0xa6: {  	v60 =	vperm.xlane v44, v3;
	v48 =	vsub.s32 $0x5F3759DF, v63;
	v37 =	vmul.f32 v31, v31  }
0xa7: {  	v45 =	vadd.f32 v45, v58;
	v53 =	vmul.f32 v30, v30;
	v36 =	vmul.f32 v48, v35  }
0xa8: {  	v56 =	vmul.f32 v28, v28;
	v47 =	vadd.f32 v47, v59;
	v44 =	vadd.f32 v44, v60  }
0xa9: {  	v41 =	vadd.f32 v37, v41;
	v57 =	vmul.f32 v25, v25;
	v46 =	vmul.f32 v48, v36  }
0xaa: {  	v43 =	vadd.f32 v53, v43;
	v36 =	vperm.xlane v45, v4;
	v37 =	vperm.xlane v47, v4  }
0xab: {  	v40 =	vadd.f32 v56, v40;
	v56 =	vperm.xlane v44, v4;
	v61 =	vperm.xlane v41, v3  }
0xac: {  	v62 =	vperm.xlane v43, v3;
	v46 =	vsub.f32 $1.500000000e+00, v46;
	v45 =	vadd.f32 v45, v36  }
0xad: {  	v63 =	vperm.xlane v40, v3;
	v47 =	vadd.f32 v47, v37;
	v44 =	vadd.f32 v44, v56  }
0xae: {  	v41 =	vadd.f32 v41, v61;
	v43 =	vadd.f32 v43, v62;
	v46 =	vmul.f32 v48, v46  }
0xaf: {  	v40 =	vadd.f32 v40, v63;
	v61 =	vperm.xlane v45, v5;
	v62 =	vperm.xlane v47, v5  }
0xb0: {  	v42 =	vadd.f32 v57, v42;
	v63 =	vperm.xlane v44, v5;
	v57 =	vperm.xlane v41, v4  }
0xb1: {  	v58 =	vperm.xlane v43, v4;
	v59 =	vperm.xlane v40, v4;
	v45 =	vadd.f32 v45, v61  }
0xb2: {  	v49 =	vmul.f32 v46, v35;
	v47 =	vadd.f32 v47, v62;
	v44 =	vadd.f32 v44, v63  }
0xb3: {  	v35 =	vperm.xlane v42, v3;
	v41 =	vadd.f32 v41, v57;
	v43 =	vadd.f32 v43, v58  }
0xb4: {  	v40 =	vadd.f32 v40, v59;
	v49 =	vmul.f32 v49, v46;
	v57 =	vperm.xlane v45, v6  }
0xb5: {  	v42 =	vadd.f32 v42, v35;
	v58 =	vperm.xlane v47, v6;
	v59 =	vperm.xlane v44, v6  }
0xb6: {  	v35 =	vperm.xlane v41, v5;
	v36 =	vperm.xlane v43, v5;
	v49 =	vsub.f32 $1.500000000e+00, v49  }
0xb7: {  	v37 =	vperm.xlane v40, v5;
	v45 =	vadd.f32 v45, v57;
	v47 =	vadd.f32 v47, v58  }
0xb8: {  	v60 =	vperm.xlane v42, v4;
	v44 =	vadd.f32 v44, v59;
	v41 =	vadd.f32 v41, v35  }
0xb9: {  	vm0 =	vgt.f32 v38, $1.000000000e+00;
	v43 =	vadd.f32 v43, v36;
	v40 =	vadd.f32 v40, v37  }
0xba: {  	v46 =	vmul.f32 v49, v46;
	v42 =	vadd.f32 v42, v60;
	v35 =	vshra.s32 v45, $0x1  }
0xbb: {  	v48 =	vmul.f32 $5.000000000e-01, v45;
	v36 =	vshra.s32 v47, $0x1;
	v51 =	vmul.f32 $5.000000000e-01, v47  }
0xbc: {  	v37 =	vshra.s32 v44, $0x1;
	v53 =	vmul.f32 $5.000000000e-01, v44;
	vm15 =	vgt.f32 v45, $1.000000000e+00  }
0xbd: {  	vm1 =	vgt.f32 v47, $1.000000000e+00;
	vm2 =	vgt.f32 v44, $1.000000000e+00;
	v60 =	vperm.xlane v41, v6  }
0xbe: {  	v61 =	vperm.xlane v43, v6;
	v62 =	vperm.xlane v40, v6;
	v50 =	vsub.s32 $0x5F3759DF, v35  }
0xbf: {  	v49 =	vsub.s32 $0x5F3759DF, v36;
	v52 =	vsub.s32 $0x5F3759DF, v37;
	v56 =	vperm.xlane v42, v5  }
0xc0: {  	v58 =	vmul.f32 v50, v48;
	v35 =	vmul.f32 v52, v53;
	v41 =	vadd.f32 v41, v60  }
0xc1: {  	v43 =	vadd.f32 v43, v61;
	v40 =	vadd.f32 v40, v62;
	v61 =	vmul.f32 v49, v51  }
0xc2: {  	v42 =	vadd.f32 v42, v56;
	v58 =	vmul.f32 v50, v58;
	v35 =	vmul.f32 v52, v35  }
0xc3: {  	v54 =	vshra.s32 v41, $0x1;
	v55 =	vmul.f32 $5.000000000e-01, v41;
	v56 =	vshra.s32 v43, $0x1  }
0xc4: {  	v57 =	vmul.f32 $5.000000000e-01, v43;
	v59 =	vshra.s32 v40, $0x1;
	v60 =	vmul.f32 $5.000000000e-01, v40  }
0xc5: {  	v61 =	vmul.f32 v49, v61;
	v63 =	vperm.xlane v42, v6;
	v54 =	vsub.s32 $0x5F3759DF, v54  }
0xc6: {  	v56 =	vsub.s32 $0x5F3759DF, v56;
	v58 =	vsub.f32 $1.500000000e+00, v58;
	v35 =	vsub.f32 $1.500000000e+00, v35  }
0xc7: {  	v36 =	vmul.f32 v54, v55;
	v37 =	vmul.f32 v56, v57;
	v61 =	vsub.f32 $1.500000000e+00, v61  }
0xc8: {  	v42 =	vadd.f32 v42, v63;
	v50 =	vmul.f32 v50, v58;
	v52 =	vmul.f32 v52, v35  }
0xc9: {  	v59 =	vsub.s32 $0x5F3759DF, v59;
	v49 =	vmul.f32 v49, v61;
	v37 =	vmul.f32 v56, v37  }
0xca: {  	v36 =	vmul.f32 v54, v36;
	v62 =	vshra.s32 v42, $0x1;
	v63 =	vmul.f32 $5.000000000e-01, v42  }
0xcb: {  	v58 =	vsub.s32 $0x5F3759DF, v62;
	v62 =	vmul.f32 v59, v60;
	v37 =	vsub.f32 $1.500000000e+00, v37  }
0xcc: {  	vm3 =	vgt.f32 v41, $1.000000000e+00;
	v45 =	vmul.f32 v50, v48;
	v61 =	vmul.f32 v58, v63  }
0xcd: {  	v36 =	vsub.f32 $1.500000000e+00, v36;
	v38 =	vmul.f32 v59, v62;
	v37 =	vmul.f32 v56, v37  }
0xce: {  	v35 =	vnsel vm0, $0x3F800000, v46;
	v56 =	vmul.f32 v49, v51;
	v61 =	vmul.f32 v58, v61  }
0xcf: {  	v36 =	vmul.f32 v54, v36;
	v54 =	vmul.f32 v35, v39;
	v38 =	vsub.f32 $1.500000000e+00, v38  }
0xd0: {  	v39 =	vmul.f32 v56, v49;
	v62 =	vsub.f32 $1.500000000e+00, v61;
	v61 =	vmul.f32 v37, v57  }
0xd1: {  	vm4 =	vgt.f32 v43, $1.000000000e+00;
	v38 =	vmul.f32 v59, v38;
	v59 =	vmul.f32 v36, v55  }
0xd2: {  	vm5 =	vgt.f32 v40, $1.000000000e+00;
	v55 =	vmul.f32 v45, v50;
	v47 =	vmul.f32 v58, v62  }
0xd3: {  	vm6 =	vgt.f32 v42, $1.000000000e+00;
	v58 =	vmul.f32 v52, v53;
	v57 =	vmul.f32 v61, v37  }
0xd4: {  	v39 =	vsub.f32 $1.500000000e+00, v39;
	v62 =	vmul.f32 v38, v60;
	v41 =	vmul.f32 v59, v36  }
0xd5: {  	v40 =	vsub.f32 $1.500000000e+00, v55;
	v53 =	vmul.f32 v47, v63;
	v56 =	vmul.f32 v58, v52  }
0xd6: {  	v61 =	vld [tilespmem:$0x1FFD0];
	[tilespmem:s16+$0xF0] =	vst v54;
	v39 =	vmul.f32 v39, v49;
	v46 =	vsub.f32 $1.500000000e+00, v57;
	v43 =	vmul.f32 v62, v38  }
0xd7: {  	v41 =	vsub.f32 $1.500000000e+00, v41;
	v62 =	vld [tilespmem:$0x1FFE0];
	v42 =	vsub.f32 $1.500000000e+00, v56;
	v58 =	vmul.f32 v53, v47  }
0xd8: {  	v63 =	vld [tilespmem:$0x1FFF0];
	v40 =	vmul.f32 v40, v50;
	v37 =	vmul.f32 v46, v37;
	v43 =	vsub.f32 $1.500000000e+00, v43  }
0xd9: {  	v36 =	vmul.f32 v41, v36;
	v45 =	vsub.f32 $1.500000000e+00, v58;
	v59 =	vmul.f32 v42, v52  }
0xda: {  	v44 =	vnsel vm15, $0x3F800000, v40;
	v41 =	vnsel vm1, $0x3F800000, v39;
	v38 =	vmul.f32 v43, v38  }
0xdb: {  	v46 =	vnsel vm3, $0x3F800000, v36;
	v39 =	vnsel vm2, $0x3F800000, v59;
	v60 =	vmul.f32 v45, v47  }
0xdc: {  	v47 =	vmul.f32 v44, v61;
	v45 =	vnsel vm4, $0x3F800000, v37;
	v36 =	vmul.f32 v44, v62  }
0xdd: {  	s17 =	simm.s32 $0x0;
	s18 =	simm.s32 $0x700;
	v37 =	vmul.f32 v44, v63;
	v42 =	vnsel vm5, $0x3F800000, v38;
	v40 =	vnsel vm6, $0x3F800000, v60  }
.LBB2_6:
0xde: {  	v43 =	vld [tilespmem:s18+$0xC0];
	[tilespmem:s16+$0xFFFFFF00] =	vst v47;
	v34 =	vmul.f32 v44, v34;
	v38 =	vmul.f32 v41, v18  }
0xdf: {  	s17 =	sadd.s32 $0x8, s17;
	v21 =	vmul.f32 v41, v21;
	v29 =	vmul.f32 v41, v29;
	v44 =	vld [tilespmem:s18+$0xD0];
	[tilespmem:s16+$0xFFFFFF10] =	vst v36  }
0xe0: {  	v33 =	vmul.f32 v41, v33;
	p0 =	slt.u32 s17, $0x1F8;
	v36 =	vld [tilespmem:s18+$0xFFFFFF10];
	[tilespmem:s16+$0xFFFFFF20] =	vst v37;
	v37 =	vmul.f32 v39, v20  }
0xe1: {  	v27 =	vmul.f32 v39, v27;
	v41 =	vld [tilespmem:s18+$0xE0];
	[tilespmem:s16+$0xFFFFFF30] =	vst v34;
	v34 =	vmul.f32 v39, v19  }
0xe2: {  	v32 =	vmul.f32 v39, v32;
	v18 =	vld [tilespmem:s18+$0xFFFFFF40];
	[tilespmem:s16+$0xFFFFFF40] =	vst v38;
	v38 =	vmul.f32 v46, v17  }
0xe3: {  	v47 =	vmul.f32 v46, v16;
	v26 =	vmul.f32 v46, v26;
	v39 =	vld [tilespmem:s18+$0xF0];
	[tilespmem:s16+$0xFFFFFF50] =	vst v21  }
0xe4: {  	v16 =	vmul.f32 v43, v43;
	v21 =	vld [tilespmem:s18+$0xFFFFFF50];
	v17 =	vmul.f32 v44, v44;
	[tilespmem:s16+$0xFFFFFF60] =	vst v29  }
0xe5: {  	v29 =	vmul.f32 v46, v31;
	v48 =	vmul.f32 v36, v36;
	v20 =	vld [tilespmem:s18+$0xFFFFFF80];
	[tilespmem:s16+$0xFFFFFF70] =	vst v33  }
0xe6: {  	v19 =	vld [tilespmem:s18+$0xFFFFFF90];
	v31 =	vadd.f32 v17, v16;
	v33 =	vmul.f32 v41, v41;
	[tilespmem:s16+$0xFFFFFF80] =	vst v37;
	v37 =	vmul.f32 v45, v14  }
0xe7: {  	v46 =	vmul.f32 v18, v18;
	v17 =	vld [tilespmem:s18+$0xFFFFFFC0];
	[tilespmem:s16+$0xFFFFFF90] =	vst v34;
	v34 =	vmul.f32 v45, v13  }
0xe8: {  	v24 =	vmul.f32 v45, v24;
	v16 =	vld [tilespmem:s18+$0xFFFFFFD0];
	v31 =	vadd.f32 v33, v31;
	v33 =	vmul.f32 v39, v39;
	[tilespmem:s16+$0xFFFFFFA0] =	vst v27  }
0xe9: {  	v30 =	vmul.f32 v45, v30;
	v27 =	vmul.f32 v21, v21;
	v14 =	vld [tilespmem:s18+$0x0];
	[tilespmem:s16+$0xFFFFFFB0] =	vst v32  }
0xea: {  	v32 =	vmul.f32 v20, v20;
	v13 =	vld [tilespmem:s18+$0x10];
	v31 =	vadd.f32 v33, v31;
	[tilespmem:s16+$0xFFFFFFC0] =	vst v38;
	v33 =	vmul.f32 v42, v11  }
0xeb: {  	v45 =	vadd.f32 v27, v46;
	v27 =	vmul.f32 v19, v19;
	v11 =	vld [tilespmem:s18+$0x40];
	[tilespmem:s16+$0xFFFFFFD0] =	vst v47;
	v46 =	vmul.f32 v42, v10  }
0xec: {  	v38 =	vmul.f32 v17, v17;
	v10 =	vld [tilespmem:s18+$0x50];
	v47 =	vperm.xlane v31, v3;
	[tilespmem:s16+$0xFFFFFFE0] =	vst v26  }
0xed: {  	v23 =	vmul.f32 v42, v23;
	v49 =	vadd.f32 v27, v32;
	v26 =	vmul.f32 v16, v16;
	v32 =	vld [tilespmem:s18+$0x80];
	[tilespmem:s16+$0xFFFFFFF0] =	vst v29  }
0xee: {  	v28 =	vmul.f32 v42, v28;
	v27 =	vmul.f32 v14, v14;
	v50 =	vld [tilespmem:s18+$0x90];
	v31 =	vadd.f32 v31, v47;
	[tilespmem:s16+$0x0] =	vst v37  }
0xef: {  	v37 =	vld [tilespmem:s18+$0xFFFFFF00];
	v42 =	vadd.f32 v26, v38;
	v26 =	vmul.f32 v13, v13;
	[tilespmem:s16+$0x10] =	vst v34;
	v34 =	vmul.f32 v40, v15  }
0xf0: {  	v38 =	vld [tilespmem:s18+$0xFFFFFF20];
	v15 =	vmul.f32 v11, v11;
	v47 =	vperm.xlane v31, v4;
	[tilespmem:s16+$0x20] =	vst v24  }
0xf1: {  	v29 =	vld [tilespmem:s18+$0xFFFFFF60];
	v51 =	vadd.f32 v26, v27;
	v24 =	vmul.f32 v10, v10;
	[tilespmem:s16+$0x30] =	vst v30;
	v30 =	vmul.f32 v40, v12  }
0xf2: {  	v27 =	vld [tilespmem:s18+$0xFFFFFFA0];
	v52 =	vmul.f32 v32, v32;
	v31 =	vadd.f32 v31, v47;
	[tilespmem:s16+$0x40] =	vst v33;
	v47 =	vmul.f32 v40, v22  }
0xf3: {  	v25 =	vmul.f32 v40, v25;
	v26 =	vld [tilespmem:s18+$0xFFFFFFE0];
	v53 =	vadd.f32 v24, v15;
	v22 =	vmul.f32 v50, v50;
	[tilespmem:s16+$0x50] =	vst v46  }
0xf4: {  	v12 =	vmovc v50;
	v33 =	vmul.f32 v37, v37;
	v24 =	vld [tilespmem:s18+$0x20];
	v40 =	vperm.xlane v31, v5;
	[tilespmem:s16+$0x60] =	vst v23;
	v15 =	vmov v32  }
0xf5: {  	v32 =	vmul.f32 v38, v38;
	v23 =	vld [tilespmem:s18+$0x60];
	v46 =	vadd.f32 v22, v52;
	[tilespmem:s16+$0x70] =	vst v28;
	v28 =	vmul.f32 v35, v9  }
0xf6: {  	v33 =	vadd.f32 v48, v33;
	v48 =	vmul.f32 v29, v29;
	v22 =	vld [tilespmem:s18+$0xA0];
	v40 =	vadd.f32 v31, v40;
	[tilespmem:s16+$0x80] =	vst v34  }
0xf7: {  	v50 =	vmul.f32 v35, v7;
	v7 =	vmovc v44;
	v9 =	vmov v43;
	v34 =	vld [tilespmem:s18+$0xFFFFFF30];
	v31 =	vmul.f32 v27, v27;
	[tilespmem:s16+$0x90] =	vst v30  }
0xf8: {  	v43 =	vadd.f32 v32, v33;
	v33 =	vld [tilespmem:s18+$0xFFFFFF70];
	v30 =	vmul.f32 v26, v26;
	v44 =	vperm.xlane v40, v6;
	[tilespmem:s16+$0xA0] =	vst v47  }
0xf9: {  	v45 =	vadd.f32 v48, v45;
	v32 =	vld [tilespmem:s18+$0xFFFFFFB0];
	v47 =	vadd.f32 v31, v49;
	v48 =	vmul.f32 v24, v24;
	[tilespmem:s16+$0xB0] =	vst v25  }
0xfa: {  	v31 =	vld [tilespmem:s18+$0xFFFFFFF0];
	v42 =	vadd.f32 v30, v42;
	v25 =	vmul.f32 v23, v23;
	v40 =	vadd.f32 v40, v44;
	[tilespmem:s16+$0xC0] =	vst v28  }
0xfb: {  	v35 =	vmul.f32 v35, v8;
	v30 =	vld [tilespmem:s18+$0x30];
	v44 =	vadd.f32 v48, v51;
	v48 =	vmul.f32 v22, v22;
	[tilespmem:s16+$0xD0] =	vst v50  }
0xfc: {  	v8 =	vmovc v41;
	v28 =	vld [tilespmem:s18+$0x70];
	v49 =	vadd.f32 v25, v53;
	v50 =	vshra.s32 v40, $0x1;
	v51 =	vmul.f32 $5.000000000e-01, v40  }
0xfd: {  	v41 =	vmul.f32 v34, v34;
	v25 =	vld [tilespmem:s18+$0xB0];
	v46 =	vadd.f32 v48, v46;
	v48 =	vsub.s32 $0x5F3759DF, v50;
	[tilespmem:s16+$0xE0] =	vst v35;
	s16 =	smov.u32 s18  }
0xfe: {  	v35 =	vmul.f32 v33, v33;
	v50 =	vmul.f32 v48, v51  }
0xff: {  	v41 =	vadd.f32 v41, v43;
	v43 =	vmul.f32 v32, v32;
	v52 =	vmul.f32 v31, v31  }
0x100: {  	v35 =	vadd.f32 v35, v45;
	v45 =	vmul.f32 v30, v30;
	v50 =	vmul.f32 v48, v50  }
0x101: {  	v43 =	vadd.f32 v43, v47;
	v42 =	vadd.f32 v52, v42;
	v47 =	vmul.f32 v28, v28  }
0x102: {  	v44 =	vadd.f32 v45, v44;
	v45 =	vmul.f32 v25, v25;
	v50 =	vsub.f32 $1.500000000e+00, v50  }
0x103: {  	v52 =	vperm.xlane v41, v3;
	v53 =	vperm.xlane v35, v3;
	v47 =	vadd.f32 v47, v49  }
0x104: {  	v49 =	vperm.xlane v43, v3;
	v45 =	vadd.f32 v45, v46;
	v46 =	vmul.f32 v48, v50  }
0x105: {  	v41 =	vadd.f32 v41, v52;
	v48 =	vperm.xlane v42, v3;
	v50 =	vperm.xlane v44, v3  }
0x106: {  	v35 =	vadd.f32 v35, v53;
	v52 =	vperm.xlane v47, v3;
	v51 =	vmul.f32 v46, v51  }
0x107: {  	v43 =	vadd.f32 v43, v49;
	v42 =	vadd.f32 v42, v48;
	v48 =	vperm.xlane v45, v3  }
0x108: {  	v44 =	vadd.f32 v44, v50;
	v47 =	vadd.f32 v47, v52;
	v49 =	vmul.f32 v51, v46  }
0x109: {  	v50 =	vperm.xlane v41, v4;
	v51 =	vperm.xlane v35, v4;
	v45 =	vadd.f32 v45, v48  }
0x10a: {  	v48 =	vperm.xlane v43, v4;
	v52 =	vperm.xlane v42, v4;
	v49 =	vsub.f32 $1.500000000e+00, v49  }
0x10b: {  	v41 =	vadd.f32 v41, v50;
	v50 =	vperm.xlane v44, v4;
	v53 =	vperm.xlane v47, v4  }
0x10c: {  	v51 =	vadd.f32 v35, v51;
	v54 =	vperm.xlane v45, v4;
	v35 =	vmul.f32 v49, v46  }
0x10d: {  	vm0 =	vgt.f32 v40, $1.000000000e+00;
	v43 =	vadd.f32 v43, v48;
	v42 =	vadd.f32 v42, v52  }
0x10e: {  	v40 =	vadd.f32 v44, v50;
	v44 =	vadd.f32 v47, v53;
	v35 =	vnsel vm0, $0x3F800000, v35  }
0x10f: {  	v46 =	vperm.xlane v41, v5;
	v45 =	vadd.f32 v45, v54;
	v39 =	vmul.f32 v35, v39  }
0x110: {  	v47 =	vperm.xlane v51, v5;
	v48 =	vperm.xlane v43, v5  }
0x111: {  	v49 =	vperm.xlane v40, v5;
	v41 =	vadd.f32 v41, v46;
	v46 =	vperm.xlane v42, v5;
	[tilespmem:s18+$0xF0] =	vst v39  }
0x112: {  	v50 =	vperm.xlane v45, v5;
	v39 =	vadd.f32 v51, v47;
	v47 =	vperm.xlane v44, v5  }
0x113: {  	v43 =	vadd.f32 v43, v48;
	v42 =	vadd.f32 v42, v46;
	v51 =	vperm.xlane v41, v6  }
0x114: {  	v40 =	vadd.f32 v40, v49;
	v46 =	vperm.xlane v39, v6;
	v44 =	vadd.f32 v44, v47  }
0x115: {  	v45 =	vadd.f32 v45, v50;
	v48 =	vperm.xlane v42, v6;
	v47 =	vperm.xlane v43, v6  }
0x116: {  	v49 =	vperm.xlane v40, v6;
	v41 =	vadd.f32 v41, v51;
	v50 =	vperm.xlane v44, v6  }
0x117: {  	v39 =	vadd.f32 v39, v46;
	v43 =	vadd.f32 v43, v47;
	v46 =	vperm.xlane v45, v6  }
0x118: {  	v40 =	vadd.f32 v40, v49;
	v42 =	vadd.f32 v42, v48;
	v47 =	vshra.s32 v41, $0x1  }
0x119: {  	v48 =	vmul.f32 $5.000000000e-01, v41;
	v44 =	vadd.f32 v44, v50;
	v45 =	vadd.f32 v45, v46  }
0x11a: {  	v46 =	vshra.s32 v39, $0x1;
	v49 =	vmul.f32 $5.000000000e-01, v39;
	v50 =	vshra.s32 v43, $0x1  }
0x11b: {  	v52 =	vshra.s32 v42, $0x1;
	v53 =	vmul.f32 $5.000000000e-01, v42;
	v51 =	vmul.f32 $5.000000000e-01, v43  }
0x11c: {  	v54 =	vshra.s32 v40, $0x1;
	v55 =	vmul.f32 $5.000000000e-01, v40;
	v56 =	vshra.s32 v44, $0x1  }
0x11d: {  	v57 =	vmul.f32 $5.000000000e-01, v44;
	v58 =	vshra.s32 v45, $0x1;
	v59 =	vmul.f32 $5.000000000e-01, v45  }
0x11e: {  	v47 =	vsub.s32 $0x5F3759DF, v47;
	v46 =	vsub.s32 $0x5F3759DF, v46;
	v50 =	vsub.s32 $0x5F3759DF, v50  }
0x11f: {  	v54 =	vsub.s32 $0x5F3759DF, v54;
	v52 =	vsub.s32 $0x5F3759DF, v52;
	v56 =	vsub.s32 $0x5F3759DF, v56  }
0x120: {  	v60 =	vmul.f32 v47, v48;
	v61 =	vmul.f32 v46, v49;
	v58 =	vsub.s32 $0x5F3759DF, v58  }
0x121: {  	vm0 =	vgt.f32 v41, $1.000000000e+00;
	v62 =	vmul.f32 v52, v53;
	v41 =	vmul.f32 v50, v51  }
0x122: {  	vm1 =	vgt.f32 v39, $1.000000000e+00;
	v39 =	vmul.f32 v54, v55;
	v63 =	vmul.f32 v56, v57  }
0x123: {  	vm2 =	vgt.f32 v43, $1.000000000e+00;
	v60 =	vmul.f32 v47, v60;
	v43 =	vmul.f32 v58, v59  }
0x124: {  	vm3 =	vgt.f32 v42, $1.000000000e+00;
	v61 =	vmul.f32 v46, v61;
	v41 =	vmul.f32 v50, v41  }
0x125: {  	v39 =	vmul.f32 v54, v39;
	v42 =	vsub.f32 $1.500000000e+00, v60;
	v60 =	vmul.f32 v52, v62  }
0x126: {  	v61 =	vsub.f32 $1.500000000e+00, v61;
	v62 =	vmul.f32 v56, v63;
	v43 =	vmul.f32 v58, v43  }
0x127: {  	v42 =	vmul.f32 v47, v42;
	v41 =	vsub.f32 $1.500000000e+00, v41;
	v47 =	vsub.f32 $1.500000000e+00, v60  }
0x128: {  	v39 =	vsub.f32 $1.500000000e+00, v39;
	v46 =	vmul.f32 v46, v61;
	v60 =	vsub.f32 $1.500000000e+00, v62  }
0x129: {  	v41 =	vmul.f32 v50, v41;
	v47 =	vmul.f32 v52, v47;
	v43 =	vsub.f32 $1.500000000e+00, v43  }
0x12a: {  	vm4 =	vgt.f32 v40, $1.000000000e+00;
	v39 =	vmul.f32 v54, v39;
	v40 =	vmul.f32 v56, v60  }
0x12b: {  	vm5 =	vgt.f32 v44, $1.000000000e+00;
	v48 =	vmul.f32 v42, v48;
	v43 =	vmul.f32 v58, v43  }
0x12c: {  	vm6 =	vgt.f32 v45, $1.000000000e+00;
	v44 =	vmul.f32 v46, v49;
	v49 =	vmul.f32 v41, v51  }
0x12d: {  	v50 =	vmul.f32 v39, v55;
	v45 =	vmul.f32 v47, v53  }
0x12e: {  	v51 =	vmul.f32 v40, v57;
	v52 =	vmul.f32 v43, v59  }
0x12f: {  	v48 =	vmul.f32 v48, v42;
	v44 =	vmul.f32 v44, v46  }
0x130: {  	v49 =	vmul.f32 v49, v41;
	v45 =	vmul.f32 v45, v47  }
0x131: {  	v50 =	vmul.f32 v50, v39;
	v48 =	vsub.f32 $1.500000000e+00, v48;
	v51 =	vmul.f32 v51, v40  }
0x132: {  	v44 =	vsub.f32 $1.500000000e+00, v44;
	v49 =	vsub.f32 $1.500000000e+00, v49;
	v52 =	vmul.f32 v52, v43  }
0x133: {  	v42 =	vmul.f32 v48, v42;
	v45 =	vsub.f32 $1.500000000e+00, v45;
	v48 =	vsub.f32 $1.500000000e+00, v50  }
0x134: {  	v46 =	vmul.f32 v44, v46;
	v50 =	vsub.f32 $1.500000000e+00, v51;
	v51 =	vsub.f32 $1.500000000e+00, v52  }
.Ltmp6:
0x135: {  	v44 =	vnsel vm0, $0x3F800000, v42;
	v42 =	vmul.f32 v49, v41;
	v45 =	vmul.f32 v45, v47;
	(pc) =	sbr.rel @p0 .LBB2_6-.Ltmp6, $4  }
0x136: {  	v48 =	vmul.f32 v48, v39;
	v41 =	vnsel vm1, $0x3F800000, v46;
	v40 =	vmul.f32 v50, v40  }
0x137: {  	v39 =	vnsel vm2, $0x3F800000, v42;
	v46 =	vnsel vm3, $0x3F800000, v45;
	v43 =	vmul.f32 v51, v43  }
0x138: {  	v47 =	vmul.f32 v44, v37;
	v45 =	vnsel vm4, $0x3F800000, v48;
	v42 =	vnsel vm5, $0x3F800000, v40  }
0x139: {  	s18 =	sadd.s32 $0x200, s18;
	v36 =	vmul.f32 v44, v36;
	v37 =	vmul.f32 v44, v38;
	v40 =	vnsel vm6, $0x3F800000, v43  }
0x13a: {  	[tilespmem:s16+$0xFFFFFF00] =	vst v47  }
0x13b: {  	v34 =	vmul.f32 v44, v34;
	[tilespmem:s16+$0xFFFFFF10] =	vst v36  }
0x13c: {  	v18 =	vmul.f32 v41, v18;
	[tilespmem:s16+$0xFFFFFF20] =	vst v37  }
0x13d: {  	v21 =	vmul.f32 v41, v21;
	[tilespmem:s16+$0xFFFFFF30] =	vst v34  }
0x13e: {  	v29 =	vmul.f32 v41, v29;
	[tilespmem:s16+$0xFFFFFF40] =	vst v18  }
0x13f: {  	v52 =	vmul.f32 v41, v33;
	[tilespmem:s16+$0xFFFFFF50] =	vst v21  }
0x140: {  	v20 =	vmul.f32 v39, v20;
	[tilespmem:s16+$0xFFFFFF60] =	vst v29  }
0x141: {  	v19 =	vmul.f32 v39, v19;
	[tilespmem:s16+$0xFFFFFF70] =	vst v52  }
0x142: {  	v53 =	vmul.f32 v39, v27;
	[tilespmem:s16+$0xFFFFFF80] =	vst v20  }
0x143: {  	v54 =	vmul.f32 v39, v32;
	[tilespmem:s16+$0xFFFFFF90] =	vst v19  }
0x144: {  	v17 =	vmul.f32 v46, v17;
	[tilespmem:s16+$0xFFFFFFA0] =	vst v53  }
0x145: {  	v16 =	vmul.f32 v46, v16;
	[tilespmem:s16+$0xFFFFFFB0] =	vst v54  }
0x146: {  	v55 =	vmul.f32 v46, v26;
	[tilespmem:s16+$0xFFFFFFC0] =	vst v17  }
0x147: {  	v56 =	vmul.f32 v46, v31;
	[tilespmem:s16+$0xFFFFFFD0] =	vst v16  }
0x148: {  	v14 =	vmul.f32 v45, v14;
	[tilespmem:s16+$0xFFFFFFE0] =	vst v55  }
0x149: {  	v13 =	vmul.f32 v45, v13;
	[tilespmem:s16+$0xFFFFFFF0] =	vst v56  }
0x14a: {  	v57 =	vmul.f32 v45, v24;
	[tilespmem:s16+$0x0] =	vst v14  }
0x14b: {  	v58 =	vmul.f32 v45, v30;
	[tilespmem:s16+$0x10] =	vst v13  }
0x14c: {  	v11 =	vmul.f32 v42, v11;
	[tilespmem:s16+$0x20] =	vst v57  }
0x14d: {  	v10 =	vmul.f32 v42, v10;
	[tilespmem:s16+$0x30] =	vst v58  }
0x14e: {  	v59 =	vmul.f32 v42, v23;
	[tilespmem:s16+$0x40] =	vst v11  }
0x14f: {  	v60 =	vmul.f32 v42, v28;
	[tilespmem:s16+$0x50] =	vst v10  }
0x150: {  	v61 =	vmul.f32 v40, v15;
	[tilespmem:s16+$0x60] =	vst v59  }
0x151: {  	v12 =	vmul.f32 v40, v12;
	[tilespmem:s16+$0x70] =	vst v60  }
0x152: {  	v62 =	vmul.f32 v40, v22;
	[tilespmem:s16+$0x80] =	vst v61  }
0x153: {  	v63 =	vmul.f32 v40, v25;
	[tilespmem:s16+$0x90] =	vst v12  }
0x154: {  	v9 =	vmul.f32 v35, v9;
	[tilespmem:s16+$0xA0] =	vst v62  }
0x155: {  	v7 =	vmul.f32 v35, v7;
	[tilespmem:s16+$0xB0] =	vst v63  }
0x156: {  	v8 =	vmul.f32 v35, v8;
	[tilespmem:s16+$0xC0] =	vst v9  }
0x157: {  	[tilespmem:s16+$0xD0] =	vst v7  }
0x158: {  	[tilespmem:s16+$0xE0] =	vst v8  }
.LBB2_8:
0x159: {  	s16 =	sshll.u32 s2, $0x10  }
0x15a: {  	s16 =	sadd.s32 s7, s16  }
0x15b: {  	s16 =	sshrl.u32 s16, $0x3  }
0x15c: {  	s16 =	sadd.s32 s1, s16  }
0x15d: {  	[hbm4b:s16+s3] =	stream.linear.scatter [tilespmem:s13], [sflag:$0x3], $0x8000, $0x38;
	[tilespmem:$0x10400] =	vst v63  }
0x15e: {  	_ =	swait.ge [sflag:s29], $0x2000  }
0x15f: {  	[sflag:s29] =	ssyncset.done $0x0  }
0x160: {  	[sflag:s29] =	ssyncadd.s32 $0xFFFFE000  }
0x161: {  	_ =	swait.ge [sflag:s29], $0x2000  }
0x162: {  	[sflag:s29] =	ssyncset.done $0x0  }
0x163: {  	[sflag:s29] =	ssyncadd.s32 $0xFFFFE000  }
0x164: {  	_ =	swait.ge [sflag:s29], $0x2000  }
0x165: {  	[sflag:s29] =	ssyncset.done $0x0  }
0x166: {  	[sflag:s29] =	ssyncadd.s32 $0xFFFFE000  }
0x167: {  	_ =	swait.ge [sflag:s29], $0x2000  }
0x168: {  	[sflag:s29] =	ssyncset.done $0x0  }
0x169: {  	p0 =	seq.s32 s2, $0x18;
	[sflag:s29] =	ssyncadd.s32 $0xFFFFE000  }
0x16a: {  	s15 =	sadd.s32 @!p0 s15, s8;
	_ =	swait.ge [sflag:s30], $0x8000  }
0x16b: {  	s15 =	sshrl.u32 @!p0 s15, $0x3;
	[sflag:s30] =	ssyncset.done $0x0  }
0x16c: {  	s15 =	sadd.s32 @!p0 s4, s15;
	s16 =	simm.s32 @!p0 $0x0;
	[sflag:s30] =	ssyncadd.s32 $0xFFFF8000  }
0x16d: {  	[tilespmem:s16], [sflag:$0x5] =	stream.linear.gather @!p0 [hbm4b:s15+s16], $0x200, $0x38;
	[tilespmem:$0x10400] =	vst v63  }
0x16e: {  	s15 =	simm.s32 @!p0 $0x5  }
0x16f: {  	_ =	swait.ge @!p0 [sflag:s15], $0x200  }
0x170: {  	[sflag:s15] =	ssyncset.done @!p0 $0x0  }
0x171: {  	s17 =	simm.s32 @!p0 $0x400;
	[sflag:s15] =	ssyncadd.s32 @!p0 $0xFFFFFE00;
	s15 =	simm.s32 @!p0 $0x80  }
0x172: {  	[tilespmem:s17], [sflag:$0x1] =	stream.indirect.gather @!p0 [hbm4b:s5+s15], $0x40, s16, s15, $0xb8;
	[tilespmem:$0x10400] =	vst v63  }
0x173: {  	s16 =	simm.s32 @!p0 $0x2400  }
0x174: {  	[tilespmem:s16], [sflag:$0x1] =	stream.indirect.gather @!p0 [hbm4b:s5+s15], $0x40, s15, s15, $0xb8;
	[tilespmem:$0x10400] =	vst v63  }
0x175: {  	s17 =	simm.s32 @!p0 $0x4400;
	s16 =	simm.s32 @!p0 $0x100  }
0x176: {  	[tilespmem:s17], [sflag:$0x1] =	stream.indirect.gather @!p0 [hbm4b:s5+s15], $0x40, s16, s15, $0xb8;
	[tilespmem:$0x10400] =	vst v63  }
0x177: {  	s16 =	simm.s32 @!p0 $0x180;
	s17 =	simm.s32 @!p0 $0x6400  }
0x178: {  	[tilespmem:s17], [sflag:$0x1] =	stream.indirect.gather @!p0 [hbm4b:s5+s15], $0x40, s16, s15, $0xb8;
	[tilespmem:$0x10400] =	vst v63  }
0x179: {  	s17 =	simm.s32 $0x0  }
0x17a: {  	v7 =	vld [tilespmem:s17+$0x8400]  }
0x17b: {  	v8 =	vld [tilespmem:s17+$0x8410];
	_ =	sdelay $0x1  }
0x17c: {  	v9 =	vld [tilespmem:s17+$0x8420];
	_ =	sdelay $0x1  }
0x17d: {  	s18 =	simm.s32 $0x40;
	v10 =	vld [tilespmem:s17+$0x8430]  }
0x17e: {  	v11 =	vld [tilespmem:s18+$0x8400];
	v7 =	vmul.f32 v7, v7;
	v8 =	vmul.f32 v8, v8  }
0x17f: {  	v12 =	vld [tilespmem:s18+$0x8410]  }
0x180: {  	v7 =	vadd.f32 v8, v7;
	v8 =	vmul.f32 v9, v9  }
0x181: {  	s17 =	simm.s32 $0x80;
	v9 =	vld [tilespmem:s18+$0x8420]  }
0x182: {  	v13 =	vld [tilespmem:s17+$0x8400];
	v7 =	vadd.f32 v8, v7;
	v8 =	vmul.f32 v10, v10  }
0x183: {  	v10 =	vld [tilespmem:s18+$0x8430]  }
0x184: {  	v11 =	vmul.f32 v11, v11;
	v12 =	vmul.f32 v12, v12;
	v7 =	vadd.f32 v8, v7;
	v8 =	vld [tilespmem:s17+$0x8410];
	_ =	sdelay $0x1  }
0x185: {  	v11 =	vadd.f32 v12, v11;
	v12 =	vld [tilespmem:s17+$0x8420];
	v9 =	vmul.f32 v9, v9;
	v14 =	vperm.xlane v7, v3;
	_ =	sdelay $0x1  }
0x186: {  	s18 =	simm.s32 $0xC0;
	v9 =	vadd.f32 v9, v11;
	v10 =	vmul.f32 v10, v10;
	v11 =	vld [tilespmem:s17+$0x8430];
	v7 =	vadd.f32 v7, v14  }
0x187: {  	v13 =	vmul.f32 v13, v13;
	v14 =	vld [tilespmem:s18+$0x8400];
	v8 =	vmul.f32 v8, v8  }
0x188: {  	v9 =	vadd.f32 v10, v9;
	v10 =	vld [tilespmem:s18+$0x8410];
	v15 =	vperm.xlane v7, v0  }
0x189: {  	v12 =	vmul.f32 v12, v12;
	v8 =	vadd.f32 v8, v13;
	v13 =	vld [tilespmem:s18+$0x8420]  }
0x18a: {  	v16 =	vperm.xlane v9, v3;
	v7 =	vadd.f32 v7, v15  }
0x18b: {  	v11 =	vmul.f32 v11, v11;
	v8 =	vadd.f32 v12, v8  }
0x18c: {  	s15 =	simm.s32 $0x100;
	v17 =	vld [tilespmem:s18+$0x8430];
	v9 =	vadd.f32 v9, v16;
	v12 =	vperm.xlane v7, v1  }
0x18d: {  	v14 =	vmul.f32 v14, v14;
	v15 =	vmul.f32 v10, v10;
	v10 =	vadd.f32 v11, v8;
	v11 =	vld [tilespmem:s15+$0x8400]  }
0x18e: {  	v16 =	vperm.xlane v9, v0;
	v8 =	vadd.f32 v7, v12;
	v19 =	vmul.f32 v13, v13;
	v13 =	vld [tilespmem:s15+$0x8410]  }
0x18f: {  	v18 =	vadd.f32 v15, v14  }
0x190: {  	v14 =	vld [tilespmem:s15+$0x8420];
	v15 =	vperm.xlane v10, v3;
	v9 =	vadd.f32 v9, v16;
	v12 =	vperm.xlane v8, v2  }
0x191: {  	s16 =	simm.s32 $0x500;
	v17 =	vmul.f32 v17, v17;
	v7 =	vimm.f32 $0.0e+00;
	v16 =	vadd.f32 v19, v18  }
.LBB2_9:
0x192: {  	v18 =	vld [tilespmem:s15+$0x8430];
	s15 =	sshra.s32 s16, $0x2;
	v19 =	vadd.f32 v10, v15;
	v15 =	vperm.xlane v9, v1;
	v12 =	vadd.f32 v8, v12;
	p0 =	sne.s32 s16, $0x1FF00  }
.Ltmp7:
0x193: {  	v20 =	vmul.f32 v11, v11;
	v11 =	vld [tilespmem:s15+$0x8400];
	v21 =	vmul.f32 v13, v13;
	v10 =	vadd.f32 v17, v16;
	(pc) =	sbr.rel @p0 .LBB2_9-.Ltmp7, $4  }
0x194: {  	s16 =	sadd.s32 $0x100, s16;
	v13 =	vld [tilespmem:s15+$0x8410];
	v16 =	vperm.xlane v19, v0;
	v8 =	vadd.f32 v9, v15;
	v7 =	vmax.f32 v7, v12  }
0x195: {  	v17 =	vadd.f32 v21, v20;
	v20 =	vmul.f32 v14, v14  }
0x196: {  	v15 =	vperm.xlane v10, v3;
	v14 =	vld [tilespmem:s15+$0x8420];
	v9 =	vadd.f32 v19, v16;
	v12 =	vperm.xlane v8, v2  }
0x197: {  	v16 =	vadd.f32 v20, v17;
	v17 =	vmul.f32 v18, v18  }
0x198: {  	v18 =	vld [tilespmem:s15+$0x8430]  }
0x199: {  	v11 =	vmul.f32 v11, v11;
	v13 =	vmul.f32 v13, v13;
	_ =	sdelay $0x1  }
0x19a: {  	v11 =	vadd.f32 v13, v11;
	v49 =	vmul.f32 v14, v14;
	_ =	sdelay $0x1  }
0x19b: {  	v11 =	vadd.f32 v49, v11;
	v50 =	vmul.f32 v18, v18  }
0x19c: {  	v51 =	vadd.f32 v17, v16  }
0x19d: {  	v11 =	vadd.f32 v50, v11  }
0x19e: {  	v52 =	vperm.xlane v51, v3  }
0x19f: {  	v10 =	vadd.f32 v10, v15;
	v53 =	vperm.xlane v11, v3  }
0x1a0: {  	v13 =	vadd.f32 v51, v52  }
0x1a1: {  	v54 =	vperm.xlane v10, v0;
	v11 =	vadd.f32 v11, v53  }
0x1a2: {  	v55 =	vperm.xlane v13, v0  }
0x1a3: {  	v10 =	vadd.f32 v10, v54;
	v56 =	vperm.xlane v11, v0  }
0x1a4: {  	v57 =	vperm.xlane v9, v1;
	v13 =	vadd.f32 v13, v55  }
0x1a5: {  	v58 =	vperm.xlane v10, v1;
	v11 =	vadd.f32 v11, v56  }
0x1a6: {  	v9 =	vadd.f32 v9, v57;
	v59 =	vperm.xlane v13, v1  }
0x1a7: {  	v10 =	vadd.f32 v10, v58;
	v60 =	vperm.xlane v11, v1  }
0x1a8: {  	v16 =	vperm.xlane v9, v2;
	v13 =	vadd.f32 v13, v59  }
0x1a9: {  	v8 =	vadd.f32 v8, v12;
	v61 =	vperm.xlane v10, v2;
	v11 =	vadd.f32 v11, v60  }
0x1aa: {  	v9 =	vadd.f32 v9, v16;
	v14 =	vperm.xlane v13, v2  }
0x1ab: {  	v7 =	vmax.f32 v7, v8;
	v8 =	vadd.f32 v10, v61;
	v62 =	vperm.xlane v11, v2  }
0x1ac: {  	v7 =	vmax.f32 v7, v9;
	v63 =	vadd.f32 v13, v14  }
0x1ad: {  	v7 =	vmax.f32 v7, v8;
	v8 =	vadd.f32 v11, v62  }
0x1ae: {  	v7 =	vmax.f32 v7, v63  }
0x1af: {  	v7 =	vmax.f32 v7, v8  }
0x1b0: {  	(v2sf) =	vpush v7, $0x0;
	_ =	sdelay $0xe  }
0x1b1: {  	s18 =	spop (v2sf)  }
0x1b2: {  	p0 =	sgt.f32 s18, $1.000000000e+00  }
.Ltmp8:
0x1b3: {  	_ = 	snop;
	(pc) =	sbr.rel @!p0 .LBB2_14-.Ltmp8, $1  }
0x1b4: {  	_ =	sdelay $0x3  }
0x1b5: {  	s15 =	simm.s32 $0x8500  }
0x1b6: {  	v24 =	vld [tilespmem:s15+$0xFFFFFF10];
	_ =	sdelay $0x3  }
0x1b7: {  	v9 =	vld [tilespmem:s15+$0xC0]  }
0x1b8: {  	v7 =	vld [tilespmem:s15+$0xD0];
	[tilespmem:$0x1FFB0] =	vst v24  }
0x1b9: {  	v8 =	vld [tilespmem:s15+$0xE0]  }
0x1ba: {  	v18 =	vld [tilespmem:s15+$0xFFFFFF40]  }
0x1bb: {  	v39 =	vld [tilespmem:s15+$0xF0]  }
0x1bc: {  	v21 =	vld [tilespmem:s15+$0xFFFFFF50]  }
0x1bd: {  	v20 =	vld [tilespmem:s15+$0xFFFFFF80]  }
0x1be: {  	v19 =	vld [tilespmem:s15+$0xFFFFFF90]  }
0x1bf: {  	v17 =	vld [tilespmem:s15+$0xFFFFFFC0]  }
0x1c0: {  	v10 =	vmul.f32 v9, v9;
	v11 =	vmul.f32 v7, v7;
	v16 =	vld [tilespmem:s15+$0xFFFFFFD0]  }
0x1c1: {  	v14 =	vld [tilespmem:s15+$0x0]  }
0x1c2: {  	v37 =	vld [tilespmem:s15+$0xFFFFFF00];
	v10 =	vadd.f32 v11, v10;
	v11 =	vmul.f32 v8, v8  }
0x1c3: {  	v13 =	vld [tilespmem:s15+$0x10]  }
0x1c4: {  	v15 =	vld [tilespmem:s15+$0x80];
	v10 =	vadd.f32 v11, v10;
	v11 =	vmul.f32 v39, v39  }
0x1c5: {  	v12 =	vld [tilespmem:s15+$0x90]  }
0x1c6: {  	v22 =	vadd.f32 v11, v10;
	v11 =	vld [tilespmem:s15+$0x40]  }
0x1c7: {  	v10 =	vld [tilespmem:s15+$0x50];
	[tilespmem:$0x1FFA0] =	vst v37  }
0x1c8: {  	v36 =	vld [tilespmem:s15+$0xFFFFFF20];
	_ =	sdelay $0x3  }
0x1c9: {  	v23 =	vperm.xlane v22, v3  }
0x1ca: {  	v25 =	vmul.f32 v24, v24;
	[tilespmem:$0x1FFC0] =	vst v36  }
0x1cb: {  	v24 =	vmul.f32 v18, v18;
	v22 =	vadd.f32 v22, v23;
	v23 =	vmul.f32 v21, v21;
	v29 =	vld [tilespmem:s15+$0xFFFFFF60]  }
0x1cc: {  	v33 =	vmul.f32 v14, v14;
	v34 =	vmul.f32 v13, v13;
	v27 =	vld [tilespmem:s15+$0xFFFFFFA0]  }
0x1cd: {  	v28 =	vmul.f32 v20, v20;
	v30 =	vmul.f32 v19, v19;
	v31 =	vadd.f32 v23, v24;
	v24 =	vld [tilespmem:s15+$0x20]  }
0x1ce: {  	v32 =	vmul.f32 v16, v16;
	v43 =	vadd.f32 v34, v33;
	v26 =	vperm.xlane v22, v4;
	v34 =	vld [tilespmem:s15+$0xFFFFFF30]  }
0x1cf: {  	v58 =	vmul.f32 v37, v37;
	v23 =	vmul.f32 v17, v17;
	v33 =	vld [tilespmem:s15+$0xFFFFFF70]  }
0x1d0: {  	v59 =	vmul.f32 v15, v15;
	v28 =	vadd.f32 v30, v28;
	v35 =	vadd.f32 v22, v26;
	v26 =	vld [tilespmem:s15+$0xFFFFFFE0]  }
0x1d1: {  	v30 =	vmul.f32 v11, v11;
	v40 =	vmul.f32 v10, v10;
	v41 =	vadd.f32 v32, v23;
	v23 =	vld [tilespmem:s15+$0x60]  }
0x1d2: {  	v44 =	vmul.f32 v12, v12;
	v25 =	vadd.f32 v25, v58;
	v45 =	vmul.f32 v36, v36;
	v22 =	vld [tilespmem:s15+$0xA0]  }
0x1d3: {  	v40 =	vadd.f32 v40, v30;
	v42 =	vperm.xlane v35, v5;
	v30 =	vmul.f32 v29, v29  }
0x1d4: {  	v60 =	vadd.f32 v44, v59;
	v32 =	vld [tilespmem:s15+$0xFFFFFFB0];
	v61 =	vmul.f32 v27, v27;
	v48 =	vmul.f32 v24, v24  }
0x1d5: {  	v45 =	vadd.f32 v45, v25;
	v50 =	vmul.f32 v34, v34;
	v51 =	vmul.f32 v33, v33  }
0x1d6: {  	v35 =	vadd.f32 v35, v42;
	v46 =	vmul.f32 v26, v26;
	v49 =	vmul.f32 v23, v23  }
0x1d7: {  	v62 =	vmul.f32 v22, v22;
	v47 =	vadd.f32 v30, v31;
	v44 =	vadd.f32 v61, v28  }
0x1d8: {  	v25 =	vperm.xlane v35, v6;
	v31 =	vld [tilespmem:s15+$0xFFFFFFF0];
	v43 =	vadd.f32 v48, v43;
	v45 =	vadd.f32 v50, v45  }
0x1d9: {  	v52 =	vmul.f32 v32, v32;
	v30 =	vld [tilespmem:s15+$0x30];
	v41 =	vadd.f32 v46, v41;
	v40 =	vadd.f32 v49, v40  }
0x1da: {  	v28 =	vld [tilespmem:s15+$0x70];
	v38 =	vadd.f32 v35, v25;
	v47 =	vadd.f32 v51, v47  }
0x1db: {  	v42 =	vadd.f32 v62, v60;
	v25 =	vld [tilespmem:s15+$0xB0];
	v44 =	vadd.f32 v52, v44;
	v58 =	vperm.xlane v45, v3  }
0x1dc: {  	v63 =	vshra.s32 v38, $0x1;
	v35 =	vmul.f32 $5.000000000e-01, v38;
	v59 =	vperm.xlane v47, v3  }
0x1dd: {  	v60 =	vperm.xlane v44, v3;
	v48 =	vsub.s32 $0x5F3759DF, v63;
	v37 =	vmul.f32 v31, v31  }
0x1de: {  	v45 =	vadd.f32 v45, v58;
	v53 =	vmul.f32 v30, v30;
	v36 =	vmul.f32 v48, v35  }
0x1df: {  	v56 =	vmul.f32 v28, v28;
	v47 =	vadd.f32 v47, v59;
	v44 =	vadd.f32 v44, v60  }
0x1e0: {  	v41 =	vadd.f32 v37, v41;
	v57 =	vmul.f32 v25, v25;
	v46 =	vmul.f32 v48, v36  }
0x1e1: {  	v43 =	vadd.f32 v53, v43;
	v36 =	vperm.xlane v45, v4;
	v37 =	vperm.xlane v47, v4  }
0x1e2: {  	v40 =	vadd.f32 v56, v40;
	v56 =	vperm.xlane v44, v4;
	v61 =	vperm.xlane v41, v3  }
0x1e3: {  	v62 =	vperm.xlane v43, v3;
	v46 =	vsub.f32 $1.500000000e+00, v46;
	v45 =	vadd.f32 v45, v36  }
0x1e4: {  	v63 =	vperm.xlane v40, v3;
	v47 =	vadd.f32 v47, v37;
	v44 =	vadd.f32 v44, v56  }
0x1e5: {  	v41 =	vadd.f32 v41, v61;
	v43 =	vadd.f32 v43, v62;
	v46 =	vmul.f32 v48, v46  }
0x1e6: {  	v40 =	vadd.f32 v40, v63;
	v61 =	vperm.xlane v45, v5;
	v62 =	vperm.xlane v47, v5  }
0x1e7: {  	v42 =	vadd.f32 v57, v42;
	v63 =	vperm.xlane v44, v5;
	v57 =	vperm.xlane v41, v4  }
0x1e8: {  	v58 =	vperm.xlane v43, v4;
	v59 =	vperm.xlane v40, v4;
	v45 =	vadd.f32 v45, v61  }
0x1e9: {  	v49 =	vmul.f32 v46, v35;
	v47 =	vadd.f32 v47, v62;
	v44 =	vadd.f32 v44, v63  }
0x1ea: {  	v35 =	vperm.xlane v42, v3;
	v41 =	vadd.f32 v41, v57;
	v43 =	vadd.f32 v43, v58  }
0x1eb: {  	v40 =	vadd.f32 v40, v59;
	v49 =	vmul.f32 v49, v46;
	v57 =	vperm.xlane v45, v6  }
0x1ec: {  	v42 =	vadd.f32 v42, v35;
	v58 =	vperm.xlane v47, v6;
	v59 =	vperm.xlane v44, v6  }
0x1ed: {  	v35 =	vperm.xlane v41, v5;
	v36 =	vperm.xlane v43, v5;
	v49 =	vsub.f32 $1.500000000e+00, v49  }
0x1ee: {  	v37 =	vperm.xlane v40, v5;
	v45 =	vadd.f32 v45, v57;
	v47 =	vadd.f32 v47, v58  }
0x1ef: {  	v60 =	vperm.xlane v42, v4;
	v44 =	vadd.f32 v44, v59;
	v41 =	vadd.f32 v41, v35  }
0x1f0: {  	vm0 =	vgt.f32 v38, $1.000000000e+00;
	v43 =	vadd.f32 v43, v36;
	v40 =	vadd.f32 v40, v37  }
0x1f1: {  	v46 =	vmul.f32 v49, v46;
	v42 =	vadd.f32 v42, v60;
	v35 =	vshra.s32 v45, $0x1  }
0x1f2: {  	v48 =	vmul.f32 $5.000000000e-01, v45;
	v36 =	vshra.s32 v47, $0x1;
	v51 =	vmul.f32 $5.000000000e-01, v47  }
0x1f3: {  	v37 =	vshra.s32 v44, $0x1;
	v53 =	vmul.f32 $5.000000000e-01, v44;
	vm15 =	vgt.f32 v45, $1.000000000e+00  }
0x1f4: {  	vm1 =	vgt.f32 v47, $1.000000000e+00;
	vm2 =	vgt.f32 v44, $1.000000000e+00;
	v60 =	vperm.xlane v41, v6  }
0x1f5: {  	v61 =	vperm.xlane v43, v6;
	v62 =	vperm.xlane v40, v6;
	v50 =	vsub.s32 $0x5F3759DF, v35  }
0x1f6: {  	v49 =	vsub.s32 $0x5F3759DF, v36;
	v52 =	vsub.s32 $0x5F3759DF, v37;
	v56 =	vperm.xlane v42, v5  }
0x1f7: {  	v58 =	vmul.f32 v50, v48;
	v35 =	vmul.f32 v52, v53;
	v41 =	vadd.f32 v41, v60  }
0x1f8: {  	v43 =	vadd.f32 v43, v61;
	v40 =	vadd.f32 v40, v62;
	v61 =	vmul.f32 v49, v51  }
0x1f9: {  	v42 =	vadd.f32 v42, v56;
	v58 =	vmul.f32 v50, v58;
	v35 =	vmul.f32 v52, v35  }
0x1fa: {  	v54 =	vshra.s32 v41, $0x1;
	v55 =	vmul.f32 $5.000000000e-01, v41;
	v56 =	vshra.s32 v43, $0x1  }
0x1fb: {  	v57 =	vmul.f32 $5.000000000e-01, v43;
	v59 =	vshra.s32 v40, $0x1;
	v60 =	vmul.f32 $5.000000000e-01, v40  }
0x1fc: {  	v61 =	vmul.f32 v49, v61;
	v63 =	vperm.xlane v42, v6;
	v54 =	vsub.s32 $0x5F3759DF, v54  }
0x1fd: {  	v56 =	vsub.s32 $0x5F3759DF, v56;
	v58 =	vsub.f32 $1.500000000e+00, v58;
	v35 =	vsub.f32 $1.500000000e+00, v35  }
0x1fe: {  	v36 =	vmul.f32 v54, v55;
	v37 =	vmul.f32 v56, v57;
	v61 =	vsub.f32 $1.500000000e+00, v61  }
0x1ff: {  	v42 =	vadd.f32 v42, v63;
	v50 =	vmul.f32 v50, v58;
	v52 =	vmul.f32 v52, v35  }
0x200: {  	v59 =	vsub.s32 $0x5F3759DF, v59;
	v49 =	vmul.f32 v49, v61;
	v37 =	vmul.f32 v56, v37  }
0x201: {  	v36 =	vmul.f32 v54, v36;
	v62 =	vshra.s32 v42, $0x1;
	v63 =	vmul.f32 $5.000000000e-01, v42  }
0x202: {  	v58 =	vsub.s32 $0x5F3759DF, v62;
	v62 =	vmul.f32 v59, v60;
	v37 =	vsub.f32 $1.500000000e+00, v37  }
0x203: {  	vm3 =	vgt.f32 v41, $1.000000000e+00;
	v45 =	vmul.f32 v50, v48;
	v61 =	vmul.f32 v58, v63  }
0x204: {  	v36 =	vsub.f32 $1.500000000e+00, v36;
	v38 =	vmul.f32 v59, v62;
	v37 =	vmul.f32 v56, v37  }
0x205: {  	v35 =	vnsel vm0, $0x3F800000, v46;
	v56 =	vmul.f32 v49, v51;
	v61 =	vmul.f32 v58, v61  }
0x206: {  	v36 =	vmul.f32 v54, v36;
	v54 =	vmul.f32 v35, v39;
	v38 =	vsub.f32 $1.500000000e+00, v38  }
0x207: {  	v39 =	vmul.f32 v56, v49;
	v62 =	vsub.f32 $1.500000000e+00, v61;
	v61 =	vmul.f32 v37, v57  }
0x208: {  	vm4 =	vgt.f32 v43, $1.000000000e+00;
	v38 =	vmul.f32 v59, v38;
	v59 =	vmul.f32 v36, v55  }
0x209: {  	vm5 =	vgt.f32 v40, $1.000000000e+00;
	v55 =	vmul.f32 v45, v50;
	v47 =	vmul.f32 v58, v62  }
0x20a: {  	vm6 =	vgt.f32 v42, $1.000000000e+00;
	v58 =	vmul.f32 v52, v53;
	v57 =	vmul.f32 v61, v37  }
0x20b: {  	v39 =	vsub.f32 $1.500000000e+00, v39;
	v62 =	vmul.f32 v38, v60;
	v41 =	vmul.f32 v59, v36  }
0x20c: {  	v40 =	vsub.f32 $1.500000000e+00, v55;
	v53 =	vmul.f32 v47, v63;
	v56 =	vmul.f32 v58, v52  }
0x20d: {  	v61 =	vld [tilespmem:$0x1FFA0];
	[tilespmem:s15+$0xF0] =	vst v54;
	v39 =	vmul.f32 v39, v49;
	v46 =	vsub.f32 $1.500000000e+00, v57;
	v43 =	vmul.f32 v62, v38  }
0x20e: {  	v41 =	vsub.f32 $1.500000000e+00, v41;
	v62 =	vld [tilespmem:$0x1FFB0];
	v42 =	vsub.f32 $1.500000000e+00, v56;
	v58 =	vmul.f32 v53, v47  }
0x20f: {  	v63 =	vld [tilespmem:$0x1FFC0];
	v40 =	vmul.f32 v40, v50;
	v37 =	vmul.f32 v46, v37;
	v43 =	vsub.f32 $1.500000000e+00, v43  }
0x210: {  	v36 =	vmul.f32 v41, v36;
	v45 =	vsub.f32 $1.500000000e+00, v58;
	v59 =	vmul.f32 v42, v52  }
0x211: {  	v44 =	vnsel vm15, $0x3F800000, v40;
	v41 =	vnsel vm1, $0x3F800000, v39;
	v38 =	vmul.f32 v43, v38  }
0x212: {  	v46 =	vnsel vm3, $0x3F800000, v36;
	v39 =	vnsel vm2, $0x3F800000, v59;
	v60 =	vmul.f32 v45, v47  }
0x213: {  	v47 =	vmul.f32 v44, v61;
	v45 =	vnsel vm4, $0x3F800000, v37;
	v36 =	vmul.f32 v44, v62  }
0x214: {  	s16 =	simm.s32 $0x0;
	s17 =	simm.s32 $0x8700;
	v37 =	vmul.f32 v44, v63;
	v42 =	vnsel vm5, $0x3F800000, v38;
	v40 =	vnsel vm6, $0x3F800000, v60  }
.LBB2_12:
0x215: {  	v43 =	vld [tilespmem:s17+$0xC0];
	[tilespmem:s15+$0xFFFFFF00] =	vst v47;
	v34 =	vmul.f32 v44, v34;
	v38 =	vmul.f32 v41, v18  }
0x216: {  	s16 =	sadd.s32 $0x8, s16;
	v21 =	vmul.f32 v41, v21;
	v29 =	vmul.f32 v41, v29;
	v44 =	vld [tilespmem:s17+$0xD0];
	[tilespmem:s15+$0xFFFFFF10] =	vst v36  }
0x217: {  	v33 =	vmul.f32 v41, v33;
	p0 =	slt.u32 s16, $0x1F8;
	v36 =	vld [tilespmem:s17+$0xFFFFFF10];
	[tilespmem:s15+$0xFFFFFF20] =	vst v37;
	v37 =	vmul.f32 v39, v20  }
0x218: {  	v27 =	vmul.f32 v39, v27;
	v41 =	vld [tilespmem:s17+$0xE0];
	[tilespmem:s15+$0xFFFFFF30] =	vst v34;
	v34 =	vmul.f32 v39, v19  }
0x219: {  	v32 =	vmul.f32 v39, v32;
	v18 =	vld [tilespmem:s17+$0xFFFFFF40];
	[tilespmem:s15+$0xFFFFFF40] =	vst v38;
	v38 =	vmul.f32 v46, v17  }
0x21a: {  	v47 =	vmul.f32 v46, v16;
	v26 =	vmul.f32 v46, v26;
	v39 =	vld [tilespmem:s17+$0xF0];
	[tilespmem:s15+$0xFFFFFF50] =	vst v21  }
0x21b: {  	v16 =	vmul.f32 v43, v43;
	v21 =	vld [tilespmem:s17+$0xFFFFFF50];
	v17 =	vmul.f32 v44, v44;
	[tilespmem:s15+$0xFFFFFF60] =	vst v29  }
0x21c: {  	v29 =	vmul.f32 v46, v31;
	v48 =	vmul.f32 v36, v36;
	v20 =	vld [tilespmem:s17+$0xFFFFFF80];
	[tilespmem:s15+$0xFFFFFF70] =	vst v33  }
0x21d: {  	v19 =	vld [tilespmem:s17+$0xFFFFFF90];
	v31 =	vadd.f32 v17, v16;
	v33 =	vmul.f32 v41, v41;
	[tilespmem:s15+$0xFFFFFF80] =	vst v37;
	v37 =	vmul.f32 v45, v14  }
0x21e: {  	v46 =	vmul.f32 v18, v18;
	v17 =	vld [tilespmem:s17+$0xFFFFFFC0];
	[tilespmem:s15+$0xFFFFFF90] =	vst v34;
	v34 =	vmul.f32 v45, v13  }
0x21f: {  	v24 =	vmul.f32 v45, v24;
	v16 =	vld [tilespmem:s17+$0xFFFFFFD0];
	v31 =	vadd.f32 v33, v31;
	v33 =	vmul.f32 v39, v39;
	[tilespmem:s15+$0xFFFFFFA0] =	vst v27  }
0x220: {  	v30 =	vmul.f32 v45, v30;
	v27 =	vmul.f32 v21, v21;
	v14 =	vld [tilespmem:s17+$0x0];
	[tilespmem:s15+$0xFFFFFFB0] =	vst v32  }
0x221: {  	v32 =	vmul.f32 v20, v20;
	v13 =	vld [tilespmem:s17+$0x10];
	v31 =	vadd.f32 v33, v31;
	[tilespmem:s15+$0xFFFFFFC0] =	vst v38;
	v33 =	vmul.f32 v42, v11  }
0x222: {  	v45 =	vadd.f32 v27, v46;
	v27 =	vmul.f32 v19, v19;
	v11 =	vld [tilespmem:s17+$0x40];
	[tilespmem:s15+$0xFFFFFFD0] =	vst v47;
	v46 =	vmul.f32 v42, v10  }
0x223: {  	v38 =	vmul.f32 v17, v17;
	v10 =	vld [tilespmem:s17+$0x50];
	v47 =	vperm.xlane v31, v3;
	[tilespmem:s15+$0xFFFFFFE0] =	vst v26  }
0x224: {  	v23 =	vmul.f32 v42, v23;
	v49 =	vadd.f32 v27, v32;
	v26 =	vmul.f32 v16, v16;
	v32 =	vld [tilespmem:s17+$0x80];
	[tilespmem:s15+$0xFFFFFFF0] =	vst v29  }
0x225: {  	v28 =	vmul.f32 v42, v28;
	v27 =	vmul.f32 v14, v14;
	v50 =	vld [tilespmem:s17+$0x90];
	v31 =	vadd.f32 v31, v47;
	[tilespmem:s15+$0x0] =	vst v37  }
0x226: {  	v37 =	vld [tilespmem:s17+$0xFFFFFF00];
	v42 =	vadd.f32 v26, v38;
	v26 =	vmul.f32 v13, v13;
	[tilespmem:s15+$0x10] =	vst v34;
	v34 =	vmul.f32 v40, v15  }
0x227: {  	v38 =	vld [tilespmem:s17+$0xFFFFFF20];
	v15 =	vmul.f32 v11, v11;
	v47 =	vperm.xlane v31, v4;
	[tilespmem:s15+$0x20] =	vst v24  }
0x228: {  	v29 =	vld [tilespmem:s17+$0xFFFFFF60];
	v51 =	vadd.f32 v26, v27;
	v24 =	vmul.f32 v10, v10;
	[tilespmem:s15+$0x30] =	vst v30;
	v30 =	vmul.f32 v40, v12  }
0x229: {  	v27 =	vld [tilespmem:s17+$0xFFFFFFA0];
	v52 =	vmul.f32 v32, v32;
	v31 =	vadd.f32 v31, v47;
	[tilespmem:s15+$0x40] =	vst v33;
	v47 =	vmul.f32 v40, v22  }
0x22a: {  	v25 =	vmul.f32 v40, v25;
	v26 =	vld [tilespmem:s17+$0xFFFFFFE0];
	v53 =	vadd.f32 v24, v15;
	v22 =	vmul.f32 v50, v50;
	[tilespmem:s15+$0x50] =	vst v46  }
0x22b: {  	v12 =	vmovc v50;
	v33 =	vmul.f32 v37, v37;
	v24 =	vld [tilespmem:s17+$0x20];
	v40 =	vperm.xlane v31, v5;
	[tilespmem:s15+$0x60] =	vst v23;
	v15 =	vmov v32  }
0x22c: {  	v32 =	vmul.f32 v38, v38;
	v23 =	vld [tilespmem:s17+$0x60];
	v46 =	vadd.f32 v22, v52;
	[tilespmem:s15+$0x70] =	vst v28;
	v28 =	vmul.f32 v35, v9  }
0x22d: {  	v33 =	vadd.f32 v48, v33;
	v48 =	vmul.f32 v29, v29;
	v22 =	vld [tilespmem:s17+$0xA0];
	v40 =	vadd.f32 v31, v40;
	[tilespmem:s15+$0x80] =	vst v34  }
0x22e: {  	v50 =	vmul.f32 v35, v7;
	v7 =	vmovc v44;
	v9 =	vmov v43;
	v34 =	vld [tilespmem:s17+$0xFFFFFF30];
	v31 =	vmul.f32 v27, v27;
	[tilespmem:s15+$0x90] =	vst v30  }
0x22f: {  	v43 =	vadd.f32 v32, v33;
	v33 =	vld [tilespmem:s17+$0xFFFFFF70];
	v30 =	vmul.f32 v26, v26;
	v44 =	vperm.xlane v40, v6;
	[tilespmem:s15+$0xA0] =	vst v47  }
0x230: {  	v45 =	vadd.f32 v48, v45;
	v32 =	vld [tilespmem:s17+$0xFFFFFFB0];
	v47 =	vadd.f32 v31, v49;
	v48 =	vmul.f32 v24, v24;
	[tilespmem:s15+$0xB0] =	vst v25  }
0x231: {  	v31 =	vld [tilespmem:s17+$0xFFFFFFF0];
	v42 =	vadd.f32 v30, v42;
	v25 =	vmul.f32 v23, v23;
	v40 =	vadd.f32 v40, v44;
	[tilespmem:s15+$0xC0] =	vst v28  }
0x232: {  	v35 =	vmul.f32 v35, v8;
	v30 =	vld [tilespmem:s17+$0x30];
	v44 =	vadd.f32 v48, v51;
	v48 =	vmul.f32 v22, v22;
	[tilespmem:s15+$0xD0] =	vst v50  }
0x233: {  	v8 =	vmovc v41;
	v28 =	vld [tilespmem:s17+$0x70];
	v49 =	vadd.f32 v25, v53;
	v50 =	vshra.s32 v40, $0x1;
	v51 =	vmul.f32 $5.000000000e-01, v40  }
0x234: {  	v41 =	vmul.f32 v34, v34;
	v25 =	vld [tilespmem:s17+$0xB0];
	v46 =	vadd.f32 v48, v46;
	v48 =	vsub.s32 $0x5F3759DF, v50;
	[tilespmem:s15+$0xE0] =	vst v35;
	s15 =	smov.u32 s17  }
0x235: {  	v35 =	vmul.f32 v33, v33;
	v50 =	vmul.f32 v48, v51  }
0x236: {  	v41 =	vadd.f32 v41, v43;
	v43 =	vmul.f32 v32, v32;
	v52 =	vmul.f32 v31, v31  }
0x237: {  	v35 =	vadd.f32 v35, v45;
	v45 =	vmul.f32 v30, v30;
	v50 =	vmul.f32 v48, v50  }
0x238: {  	v43 =	vadd.f32 v43, v47;
	v42 =	vadd.f32 v52, v42;
	v47 =	vmul.f32 v28, v28  }
0x239: {  	v44 =	vadd.f32 v45, v44;
	v45 =	vmul.f32 v25, v25;
	v50 =	vsub.f32 $1.500000000e+00, v50  }
0x23a: {  	v52 =	vperm.xlane v41, v3;
	v53 =	vperm.xlane v35, v3;
	v47 =	vadd.f32 v47, v49  }
0x23b: {  	v49 =	vperm.xlane v43, v3;
	v45 =	vadd.f32 v45, v46;
	v46 =	vmul.f32 v48, v50  }
0x23c: {  	v41 =	vadd.f32 v41, v52;
	v48 =	vperm.xlane v42, v3;
	v50 =	vperm.xlane v44, v3  }
0x23d: {  	v35 =	vadd.f32 v35, v53;
	v52 =	vperm.xlane v47, v3;
	v51 =	vmul.f32 v46, v51  }
0x23e: {  	v43 =	vadd.f32 v43, v49;
	v42 =	vadd.f32 v42, v48;
	v48 =	vperm.xlane v45, v3  }
0x23f: {  	v44 =	vadd.f32 v44, v50;
	v47 =	vadd.f32 v47, v52;
	v49 =	vmul.f32 v51, v46  }
0x240: {  	v50 =	vperm.xlane v41, v4;
	v51 =	vperm.xlane v35, v4;
	v45 =	vadd.f32 v45, v48  }
0x241: {  	v48 =	vperm.xlane v43, v4;
	v52 =	vperm.xlane v42, v4;
	v49 =	vsub.f32 $1.500000000e+00, v49  }
0x242: {  	v41 =	vadd.f32 v41, v50;
	v50 =	vperm.xlane v44, v4;
	v53 =	vperm.xlane v47, v4  }
0x243: {  	v51 =	vadd.f32 v35, v51;
	v54 =	vperm.xlane v45, v4;
	v35 =	vmul.f32 v49, v46  }
0x244: {  	vm0 =	vgt.f32 v40, $1.000000000e+00;
	v43 =	vadd.f32 v43, v48;
	v42 =	vadd.f32 v42, v52  }
0x245: {  	v40 =	vadd.f32 v44, v50;
	v44 =	vadd.f32 v47, v53;
	v35 =	vnsel vm0, $0x3F800000, v35  }
0x246: {  	v46 =	vperm.xlane v41, v5;
	v45 =	vadd.f32 v45, v54;
	v39 =	vmul.f32 v35, v39  }
0x247: {  	v47 =	vperm.xlane v51, v5;
	v48 =	vperm.xlane v43, v5  }
0x248: {  	v49 =	vperm.xlane v40, v5;
	v41 =	vadd.f32 v41, v46;
	v46 =	vperm.xlane v42, v5;
	[tilespmem:s17+$0xF0] =	vst v39  }
0x249: {  	v50 =	vperm.xlane v45, v5;
	v39 =	vadd.f32 v51, v47;
	v47 =	vperm.xlane v44, v5  }
0x24a: {  	v43 =	vadd.f32 v43, v48;
	v42 =	vadd.f32 v42, v46;
	v51 =	vperm.xlane v41, v6  }
0x24b: {  	v40 =	vadd.f32 v40, v49;
	v46 =	vperm.xlane v39, v6;
	v44 =	vadd.f32 v44, v47  }
0x24c: {  	v45 =	vadd.f32 v45, v50;
	v48 =	vperm.xlane v42, v6;
	v47 =	vperm.xlane v43, v6  }
0x24d: {  	v49 =	vperm.xlane v40, v6;
	v41 =	vadd.f32 v41, v51;
	v50 =	vperm.xlane v44, v6  }
0x24e: {  	v39 =	vadd.f32 v39, v46;
	v43 =	vadd.f32 v43, v47;
	v46 =	vperm.xlane v45, v6  }
0x24f: {  	v40 =	vadd.f32 v40, v49;
	v42 =	vadd.f32 v42, v48;
	v47 =	vshra.s32 v41, $0x1  }
0x250: {  	v48 =	vmul.f32 $5.000000000e-01, v41;
	v44 =	vadd.f32 v44, v50;
	v45 =	vadd.f32 v45, v46  }
0x251: {  	v46 =	vshra.s32 v39, $0x1;
	v49 =	vmul.f32 $5.000000000e-01, v39;
	v50 =	vshra.s32 v43, $0x1  }
0x252: {  	v52 =	vshra.s32 v42, $0x1;
	v53 =	vmul.f32 $5.000000000e-01, v42;
	v51 =	vmul.f32 $5.000000000e-01, v43  }
0x253: {  	v54 =	vshra.s32 v40, $0x1;
	v55 =	vmul.f32 $5.000000000e-01, v40;
	v56 =	vshra.s32 v44, $0x1  }
0x254: {  	v57 =	vmul.f32 $5.000000000e-01, v44;
	v58 =	vshra.s32 v45, $0x1;
	v59 =	vmul.f32 $5.000000000e-01, v45  }
0x255: {  	v47 =	vsub.s32 $0x5F3759DF, v47;
	v46 =	vsub.s32 $0x5F3759DF, v46;
	v50 =	vsub.s32 $0x5F3759DF, v50  }
0x256: {  	v54 =	vsub.s32 $0x5F3759DF, v54;
	v52 =	vsub.s32 $0x5F3759DF, v52;
	v56 =	vsub.s32 $0x5F3759DF, v56  }
0x257: {  	v60 =	vmul.f32 v47, v48;
	v61 =	vmul.f32 v46, v49;
	v58 =	vsub.s32 $0x5F3759DF, v58  }
0x258: {  	vm0 =	vgt.f32 v41, $1.000000000e+00;
	v62 =	vmul.f32 v52, v53;
	v41 =	vmul.f32 v50, v51  }
0x259: {  	vm1 =	vgt.f32 v39, $1.000000000e+00;
	v39 =	vmul.f32 v54, v55;
	v63 =	vmul.f32 v56, v57  }
0x25a: {  	vm2 =	vgt.f32 v43, $1.000000000e+00;
	v60 =	vmul.f32 v47, v60;
	v43 =	vmul.f32 v58, v59  }
0x25b: {  	vm3 =	vgt.f32 v42, $1.000000000e+00;
	v61 =	vmul.f32 v46, v61;
	v41 =	vmul.f32 v50, v41  }
0x25c: {  	v39 =	vmul.f32 v54, v39;
	v42 =	vsub.f32 $1.500000000e+00, v60;
	v60 =	vmul.f32 v52, v62  }
0x25d: {  	v61 =	vsub.f32 $1.500000000e+00, v61;
	v62 =	vmul.f32 v56, v63;
	v43 =	vmul.f32 v58, v43  }
0x25e: {  	v42 =	vmul.f32 v47, v42;
	v41 =	vsub.f32 $1.500000000e+00, v41;
	v47 =	vsub.f32 $1.500000000e+00, v60  }
0x25f: {  	v39 =	vsub.f32 $1.500000000e+00, v39;
	v46 =	vmul.f32 v46, v61;
	v60 =	vsub.f32 $1.500000000e+00, v62  }
0x260: {  	v41 =	vmul.f32 v50, v41;
	v47 =	vmul.f32 v52, v47;
	v43 =	vsub.f32 $1.500000000e+00, v43  }
0x261: {  	vm4 =	vgt.f32 v40, $1.000000000e+00;
	v39 =	vmul.f32 v54, v39;
	v40 =	vmul.f32 v56, v60  }
0x262: {  	vm5 =	vgt.f32 v44, $1.000000000e+00;
	v48 =	vmul.f32 v42, v48;
	v43 =	vmul.f32 v58, v43  }
0x263: {  	vm6 =	vgt.f32 v45, $1.000000000e+00;
	v44 =	vmul.f32 v46, v49;
	v49 =	vmul.f32 v41, v51  }
0x264: {  	v50 =	vmul.f32 v39, v55;
	v45 =	vmul.f32 v47, v53  }
0x265: {  	v51 =	vmul.f32 v40, v57;
	v52 =	vmul.f32 v43, v59  }
0x266: {  	v48 =	vmul.f32 v48, v42;
	v44 =	vmul.f32 v44, v46  }
0x267: {  	v49 =	vmul.f32 v49, v41;
	v45 =	vmul.f32 v45, v47  }
0x268: {  	v50 =	vmul.f32 v50, v39;
	v48 =	vsub.f32 $1.500000000e+00, v48;
	v51 =	vmul.f32 v51, v40  }
0x269: {  	v44 =	vsub.f32 $1.500000000e+00, v44;
	v49 =	vsub.f32 $1.500000000e+00, v49;
	v52 =	vmul.f32 v52, v43  }
0x26a: {  	v42 =	vmul.f32 v48, v42;
	v45 =	vsub.f32 $1.500000000e+00, v45;
	v48 =	vsub.f32 $1.500000000e+00, v50  }
0x26b: {  	v46 =	vmul.f32 v44, v46;
	v50 =	vsub.f32 $1.500000000e+00, v51;
	v51 =	vsub.f32 $1.500000000e+00, v52  }
.Ltmp9:
0x26c: {  	v44 =	vnsel vm0, $0x3F800000, v42;
	v42 =	vmul.f32 v49, v41;
	v45 =	vmul.f32 v45, v47;
	(pc) =	sbr.rel @p0 .LBB2_12-.Ltmp9, $4  }
0x26d: {  	v48 =	vmul.f32 v48, v39;
	v41 =	vnsel vm1, $0x3F800000, v46;
	v40 =	vmul.f32 v50, v40  }
0x26e: {  	v39 =	vnsel vm2, $0x3F800000, v42;
	v46 =	vnsel vm3, $0x3F800000, v45;
	v43 =	vmul.f32 v51, v43  }
0x26f: {  	v47 =	vmul.f32 v44, v37;
	v45 =	vnsel vm4, $0x3F800000, v48;
	v42 =	vnsel vm5, $0x3F800000, v40  }
0x270: {  	s17 =	sadd.s32 $0x200, s17;
	v36 =	vmul.f32 v44, v36;
	v37 =	vmul.f32 v44, v38;
	v40 =	vnsel vm6, $0x3F800000, v43  }
0x271: {  	[tilespmem:s15+$0xFFFFFF00] =	vst v47  }
0x272: {  	v34 =	vmul.f32 v44, v34;
	[tilespmem:s15+$0xFFFFFF10] =	vst v36  }
0x273: {  	v18 =	vmul.f32 v41, v18;
	[tilespmem:s15+$0xFFFFFF20] =	vst v37  }
0x274: {  	v21 =	vmul.f32 v41, v21;
	[tilespmem:s15+$0xFFFFFF30] =	vst v34  }
0x275: {  	v29 =	vmul.f32 v41, v29;
	[tilespmem:s15+$0xFFFFFF40] =	vst v18  }
0x276: {  	v52 =	vmul.f32 v41, v33;
	[tilespmem:s15+$0xFFFFFF50] =	vst v21  }
0x277: {  	v20 =	vmul.f32 v39, v20;
	[tilespmem:s15+$0xFFFFFF60] =	vst v29  }
0x278: {  	v19 =	vmul.f32 v39, v19;
	[tilespmem:s15+$0xFFFFFF70] =	vst v52  }
0x279: {  	v53 =	vmul.f32 v39, v27;
	[tilespmem:s15+$0xFFFFFF80] =	vst v20  }
0x27a: {  	v54 =	vmul.f32 v39, v32;
	[tilespmem:s15+$0xFFFFFF90] =	vst v19  }
0x27b: {  	v17 =	vmul.f32 v46, v17;
	[tilespmem:s15+$0xFFFFFFA0] =	vst v53  }
0x27c: {  	v16 =	vmul.f32 v46, v16;
	[tilespmem:s15+$0xFFFFFFB0] =	vst v54  }
0x27d: {  	v55 =	vmul.f32 v46, v26;
	[tilespmem:s15+$0xFFFFFFC0] =	vst v17  }
0x27e: {  	v56 =	vmul.f32 v46, v31;
	[tilespmem:s15+$0xFFFFFFD0] =	vst v16  }
0x27f: {  	v14 =	vmul.f32 v45, v14;
	[tilespmem:s15+$0xFFFFFFE0] =	vst v55  }
0x280: {  	v13 =	vmul.f32 v45, v13;
	[tilespmem:s15+$0xFFFFFFF0] =	vst v56  }
0x281: {  	v57 =	vmul.f32 v45, v24;
	[tilespmem:s15+$0x0] =	vst v14  }
0x282: {  	v58 =	vmul.f32 v45, v30;
	[tilespmem:s15+$0x10] =	vst v13  }
0x283: {  	v11 =	vmul.f32 v42, v11;
	[tilespmem:s15+$0x20] =	vst v57  }
0x284: {  	v10 =	vmul.f32 v42, v10;
	[tilespmem:s15+$0x30] =	vst v58  }
0x285: {  	v59 =	vmul.f32 v42, v23;
	[tilespmem:s15+$0x40] =	vst v11  }
0x286: {  	v60 =	vmul.f32 v42, v28;
	[tilespmem:s15+$0x50] =	vst v10  }
0x287: {  	v61 =	vmul.f32 v40, v15;
	[tilespmem:s15+$0x60] =	vst v59  }
0x288: {  	v12 =	vmul.f32 v40, v12;
	[tilespmem:s15+$0x70] =	vst v60  }
0x289: {  	v62 =	vmul.f32 v40, v22;
	[tilespmem:s15+$0x80] =	vst v61  }
0x28a: {  	v63 =	vmul.f32 v40, v25;
	[tilespmem:s15+$0x90] =	vst v12  }
.Ltmp10:
0x28b: {  	v9 =	vmul.f32 v35, v9;
	[tilespmem:s15+$0xA0] =	vst v62;
	(pc) =	sbr.rel .LBB2_14-.Ltmp10, $4  }
0x28c: {  	v7 =	vmul.f32 v35, v7;
	[tilespmem:s15+$0xB0] =	vst v63  }
0x28d: {  	v8 =	vmul.f32 v35, v8;
	[tilespmem:s15+$0xC0] =	vst v9  }
0x28e: {  	[tilespmem:s15+$0xD0] =	vst v7  }
0x28f: {  	[tilespmem:s15+$0xE0] =	vst v8  }
.LBB2_16:
0x290: {  	_ =	sfence.sel $0x180000  }
0x291: {  	[bflag:$0x0] =	sbarrier.arrive $0xFFFF  }
0x292: {  	_ =	strace $0x90000047  }
0x293: {  	s0 =	stileid.u32;
	[bflag:$0x2] =	sbarrier.arrive $0xFFFF  }
0x294: {  	p0 =	sne.s32 s0, $0x0;
	s0 =	rddreg [dreg:$0x2]  }
0x295: {  	s0 =	sadd.s32 @!p0 $0x100000, s0  }
0x296: {  	[sflag:s0] =	ssyncadd.tile.s32 @!p0 $0x1;
	_ =	shalt  }
.Lfunc_end2:
_tile_overlayer_lowered:
.L_overlay_start_2:
0x297: {  	(tag) =	ssettag $0x2  }
0x298: {  	s0 =	rddreg [dreg:$0x0];
	s2 =	stileid.u32  }
0x299: {  	s1 =	rddreg [dreg:$0x1];
	p0 =	sne.s32 s2, $0x0  }
0x29a: {  	s3 =	rddreg [dreg:$0x2];
	[bflag:$0x3] =	sbarrier.arrive $0xFFFF;
	s2 =	simm.s32 @!p0 $0x1C05  }
0x29b: {  	[timem:s3], [sflag:s2] =	dma.local @!p0 [hbm:s0], s1  }
0x29c: {  	s0 =	simm.s32 @!p0 $0x5  }
0x29d: {  	_ =	swait.ge @!p0 [sflag:s0], s1  }
0x29e: {  	s1 =	ssub.s32 @!p0 $0x0, s1;
	[sflag:s0] =	ssyncset.done @!p0 $0x0  }
0x29f: {  	[sflag:s0] =	ssyncadd.s32 @!p0 s1  }
0x2a0: {  	[bflag:$0x3] =	sbarrier.arrive $0xFFFF  }
0x2a1: {  	_ =	shalt  }

// kernel: sparse-core-data-format-call.cloned.1.call-start
scs
called_computation_lowered:
.L_overlay_start_0:
0x0: {  	s2 =	sld [smem:$0x3FD9]  }
0x1: {  	s3 =	sld [smem:$0x3FFE];
	_ =	sdelay $0x1  }
0x2: {  	s1 =	srdreg.scid  }
0x3: {  	s0 =	sand.u32 $0x1, s1  }
0x4: {  	s18 =	sshll.u32 s0, $0xA;
	s2 =	sadd.s32 s3, s2  }
0x5: {  	s2 =	sadd.s32 s2, s18  }
0x6: {  	[smem:$0x3FC6] =	sst s2  }
0x7: {  	_ = 	snop  }
0x8: {  	s2 =	sld [smem:$0x3FD0];
	(tm) =	ssettm $0x1  }
0x9: {  	s19 =	sld [smem:$0x3FFB];
	_ =	sdelay $0x3  }
0xa: {  	_ =	strace s19  }
0xb: {  	s3 =	sld [smem:$0x3FFC];
	_ =	sdelay $0x3  }
0xc: {  	_ =	strace s3  }
0xd: {  	s3 =	sld [smem:$0x3FFD];
	_ =	sdelay $0x3  }
0xe: {  	_ =	strace s3  }
0xf: {  	_ =	strace $0x8FFFFFFF  }
0x10: {  	s20 =	sld [smem:$0x3FDB];
	_ =	sdelay $0x1  }
0x11: {  	s4 =	simm.s32 $_scs_section_size  }
0x12: {  	s5 =	simm.s32 $_size__tile_overlayer_lowered;
	s6 =	simm.s32 $_tile_overlayer_lowered  }
0x13: {  	s23 =	simm.s32 $0x1BFF;
	s22 =	sshll.u32 s6, $0x1;
	s3 =	sadd.s32 s4, s20  }
0x14: {  	s7 =	simm.s32 $0x0;
	s21 =	sshll.u32 s5, $0x1;
	s5 =	sadd.s32 s22, s3  }
0x15: {  	[timem:s7], [sflag:s23] =	dma.local [hbm:s5], s21  }
0x16: {  	_ =	swait.ge [sflag:s23], s21  }
0x17: {  	s4 =	ssub.s32 $0x0, s21;
	[sflag:s23] =	ssyncset.done $0x0  }
0x18: {  	[sflag:s23] =	ssyncadd.s32 s4;
	_ =	sdelay $0x1  }
0x19: {  	s24 =	simm.s32 $0x1B8B  }
0x1a: {  	_ =	swait.ge [sflag:s24], $0x1  }
0x1b: {  	[sflag:s24] =	ssyncset.done $0x0  }
0x1c: {  	s26 =	simm.s32 $0x1B8E;
	s25 =	sld [smem:$0x3FFE];
	[sflag:s24] =	ssyncadd.s32 $0xFFFFFFFF  }
0x1d: {  	s27 =	simm.s32 $execute0_lowered;
	[smem:$0x3FD2] =	sst s26  }
0x1e: {  	s5 =	sshll.u32 s27, $0x1;
	_ =	strace $0x80000049;
	[dreg:$0x1] =	wrdreg $0xFFFFFFFF  }
0x1f: {  	s28 =	simm.s32 $_size_execute0_lowered;
	s3 =	sadd.s32 s3, s5;
	[dreg:$0x0] =	wrdreg $0x0  }
0x20: {  	s5 =	sshll.u32 s28, $0x1;
	[dreg:$0x2] =	wrdreg s3  }
0x21: {  	[dreg:$0x3] =	wrdreg s5  }
0x22: {  	[dreg:$0x4] =	wrdreg $0xC0  }
0x23: {  	_ =	task [dreg:s7], $0x5FFFF  }
0x24: {  	[dreg:$0x1] =	wrdreg $0xFFFFFFFF  }
0x25: {  	[dreg:$0x0] =	wrdreg $0x60  }
0x26: {  	[dreg:$0x2] =	wrdreg s25  }
0x27: {  	[dreg:$0x3] =	wrdreg s2  }
0x28: {  	[dreg:$0x4] =	wrdreg $0x9  }
0x29: {  	_ =	task.clear_ibuf [dreg:s7], $0x5FFFF;
	_ =	strace $0x90000049  }
0x2a: {  	s29 =	simm.s32 $0x9;
	_ =	strace $0x8000004B  }
0x2b: {  	_ =	swait.ge [sflag:s29], $0x1  }
0x2c: {  	[sflag:s29] =	ssyncadd.s32 $0xFFFFFFFF  }
0x2d: {  	_ =	strace $0x9000004B  }
0x2e: {  	_ =	sfence  }
0x2f: {  	s30 =	sld [smem:$0x0];
	_ =	sdelay $0x2  }
0x30: {  	s31 =	sshll.u32 s1, $0xD;
	s1 =	sshrl.u32 s1, $0x2  }
0x31: {  	s3 =	sand.u32 $0x4000, s31;
	s1 =	sadd.s32 s1, s30  }
0x32: {  	s0 =	sor.u32 s3, s0;
	s1 =	sshll.u32 s1, $0x11  }
0x33: {  	s0 =	sor.u32 s1, s0  }
0x34: {  	s0 =	sadd.s32 $0x8F2B, s0  }
0x35: {  	[sflag:s0] =	ssyncadd.remote.s32 $0x1  }
0x36: {  	_ =	sfence.sel $0xFFFF  }
0x37: {  	[dreg:$0x0] =	wrdreg $0xFFFFFFFF;
	(pc) =	sbr.abs _section_cstart, $3  }
0x38: {  	[dreg:$0x1] =	wrdreg $0xFFFFFFFF  }
0x39: {  	_ =	task.clear_ibuf [dreg:s7], $0x2FFFF;
	_ =	strace $0x9FFFFFFF  }
0x3a: {  	(tm) =	ssettm $0x7FFFFFFF  }
0x3b: {  	_ =	shalt  }
tec
execute0_lowered:
.L_overlay_start_1:
0x0: {  	(tag) =	ssettag $0x1  }
0x1: {  	s0 =	srdreg.scid  }
0x2: {  	s1 =	sshll.u32 s0, $0x4  }
0x3: {  	s0 =	stileid.u32;
	s1 =	sand.u32 $0x10, s1  }
0x4: {  	s1 =	sor.u32 s0, s1  }
0x5: {  	s6 =	rddreg [dreg:$0x0];
	s4 =	simm.s32 $0x1;
	s2 =	sshll.u32 s1, $0x7  }
0x6: {  	s7 =	simm.s32 $0x2;
	s12 =	simm.s32 $0x0;
	s1 =	ssub.s32 $0x4000, s2  }
0x7: {  	s8 =	simm.s32 $0x20000;
	s13 =	simm.s32 $0x0;
	s3 =	sand.u32 $0xF80, s1  }
0x8: {  	s9 =	simm.s32 $0x0;
	s5 =	sshrl.u32 s1, $0xC;
	p0 =	sne.s32 s3, $0x0  }
.Ltmp0:
0x9: {  	s1 =	rddreg [dreg:$0x2];
	s4 =	simm.s32 @!p0 $0x0;
	(pc) =	sbr.rel .LBB1_1-.Ltmp0, $4  }
0xa: {  	s11 =	simm.s32 $0x0;
	s3 =	rddreg [dreg:$0x1];
	s5 =	sadd.s32 s4, s5  }
0xb: {  	_ =	strace $0x8000004A;
	s4 =	simm.s32 $0x1;
	s5 =	smul.u32 $0x32, s5  }
0xc: {  	s6 =	sadd.s32 $0xA00, s6;
	s10 =	smov.u32 s2;
	[sflag:s4] =	ssyncpa.u1 $0x0  }
0xd: {  	p0 =	por $0x0, $0x0;
	[sflag:s7] =	ssyncpa.u1 $0x0;
	s7 =	sor.u32 $0x1, s5  }
.LBB1_4:
0xe: {  	s16 =	sshll.u32 s13, $0x3;
	s17 =	sand.u32 $0x78, s13  }
0xf: {  	s30 =	sand.u32 $0x1F800, s13;
	s12 =	sshll.u32 s12, $0x11;
	s16 =	sand.u32 $0x3C00, s16  }
0x10: {  	[tilespmem:s15+$0x810 ss:$0x81] =	vst.msk $0xffff, v2;
	s31 =	sand.u32 $0x7, s13;
	s16 =	sor.u32 s17, s16;
	s17 =	sadd.s32 s3, s30  }
0x11: {  	[tilespmem:s15+$0x1020 ss:$0x81] =	vst.msk $0xffff, v0;
	s13 =	sshll.u32 s31, $0x12;
	s12 =	sadd.s32 s12, s17;
	s16 =	sshrl.u32 s16, $0x3  }
0x12: {  	[tilespmem:s15+$0x0 ss:$0x81] =	vst.msk $0xffff, v1;
	s13 =	sor.u32 $0x400, s13;
	s12 =	sadd.s32 s16, s12  }
0x13: {  	[hbm4b:s12+s13] =	stream.strided.scatter [tilespmem:s14], [sflag:$0x2], $0x2000, s8, s13, $0x20;
	[tilespmem:$0x8080] =	vst v63  }
.LBB1_5:
0x14: {  	s14 =	sadd.s32 $0x1, s9  }
0x15: {  	s12 =	sadd.s32 $0x1000, s10;
	s16 =	smov.u32 s10;
	p2 =	sgt.s32 s14, $0x31  }
0x16: {  	s16 =	smov.u32 @p2 s12  }
0x17: {  	s14 =	simm.s32 @p2 $0x0;
	p2 =	sgt.s32 s16, $0x3FFF  }
0x18: {  	s16 =	smov.u32 @p2 s2;
	p2 =	sne.s32 s11, s7  }
.Ltmp1:
0x19: {  	p1 =	slt.u32 s11, $0x2;
	(pc) =	sbr.rel @!p2 .LBB1_6-.Ltmp1, $4  }
0x1a: {  	s15 =	simm.s32 @!p1 $0x2  }
0x1b: {  	s13 =	smov.u32 s10;
	p0 =	por !p0, !p0;
	_ =	swait.ge @!p1 [sflag:s15], $0x2000  }
0x1c: {  	s12 =	smov.u32 s9;
	[sflag:s15] =	ssyncset.done @!p1 $0x0;
	s9 =	smov.u32 s14  }
0x1d: {  	s11 =	sadd.s32 $0x1, s11;
	[sflag:s15] =	ssyncadd.s32 @!p1 $0xFFFFE000;
	s10 =	smov.u32 s16  }
.LBB1_1:
0x1e: {  	p1 =	sge.u32 s11, s5  }
0x1f: {  	s14 =	sand.u32 @!p1 $0x1FFFFFF, s9  }
0x20: {  	s15 =	smulhi.u32 @!p1 $0x4924925, s14;
	_ =	sdelay $0x1  }
0x21: {  	s15 =	smul.u32 @!p1 $0x38, s15  }
0x22: {  	s16 =	sxor.u32 @!p1 $0xFFFFFFFF, s11;
	s17 =	smul.u32 @!p1 $0x380, s10  }
0x23: {  	s31 =	sadd.s32 $0xFFFFFFFF, s11;
	s16 =	sshll.u32 @!p1 s16, $0xD;
	s14 =	ssub.s32 @!p1 s14, s15  }
0x24: {  	s15 =	sand.u32 @!p1 $0x2000, s16;
	s16 =	sadd.s32 @!p1 s6, s17;
	s14 =	sshll.u32 @!p1 s14, $0x4  }
0x25: {  	s17 =	simm.s32 @!p1 $0x1C00;
	s14 =	sadd.s32 @!p1 s14, s16;
	s16 =	simm.s32 @!p1 $0x40  }
0x26: {  	[tilespmem:s15], [sflag:$0x1] =	stream.strided.gather @!p1 [hbm4b:s14+s16], $0x2000, s17, s16, $0x38;
	[tilespmem:$0x8080] =	vst v63  }
0x27: {  	p1 =	sge.u32 s31, s5  }
.Ltmp2:
0x28: {  	_ = 	snop;
	(pc) =	sbr.rel @p1 .LBB1_5-.Ltmp2, $1  }
0x29: {  	_ =	sdelay $0x3  }
0x2a: {  	s14 =	simm.s32 $0x1  }
0x2b: {  	_ =	swait.ge [sflag:s4], $0x2000;
	s14 =	simm.s32 @!p0 $0x0  }
0x2c: {  	[sflag:s4] =	ssyncset.done $0x0;
	s15 =	sshll.u32 s14, $0xD  }
0x2d: {  	[sflag:s4] =	ssyncadd.s32 $0xFFFFE000;
	s18 =	sor.u32 $0x20, s15  }
0x2e: {  	s14 =	smul.u32 $0x8100, s14;
	v3 =	vld [tilespmem:s18+$0x10]  }
0x2f: {  	s30 =	sand.u32 $0x1, s11;
	v2 =	vld [tilespmem:s18+$0xFFFFFFF0]  }
0x30: {  	s15 =	smul.u32 $0x8100, s30;
	s14 =	sshrl.u32 s14, $0x2;
	v0 =	vld [tilespmem:s18+$0x0]  }
0x31: {  	v1 =	vld [tilespmem:s18+$0xFFFFFFE0];
	s16 =	sor.u32 $0x4000, s14  }
0x32: {  	s31 =	sshrl.u32 s15, $0x2;
	s15 =	sadd.s32 $0x0, s16  }
0x33: {  	s17 =	simm.s32 $0x4;
	s18 =	sadd.s32 $0x40, s18;
	s14 =	sor.u32 $0x4000, s31;
	[tilespmem:s15+$0x1830 ss:$0x81] =	vst.msk $0xffff, v3  }
.LBB1_3:
0x34: {  	v3 =	vld [tilespmem:s18+$0x10];
	p1 =	sne.s32 s17, $0x1FC;
	[tilespmem:s15+$0x810 ss:$0x81] =	vst.msk $0xffff, v2;
	s19 =	smov.u32 s17;
	s17 =	sadd.s32 $0x4, s17  }
.Ltmp3:
0x35: {  	v2 =	vld [tilespmem:s18+$0xFFFFFFF0];
	[tilespmem:s15+$0x1020 ss:$0x81] =	vst.msk $0xffff, v0;
	(pc) =	sbr.rel @p1 .LBB1_3-.Ltmp3, $4  }
0x36: {  	v0 =	vld [tilespmem:s18+$0x0];
	[tilespmem:s15+$0x0 ss:$0x81] =	vst.msk $0xffff, v1  }
0x37: {  	s15 =	sshra.s32 s19, $0x2;
	v1 =	vld [tilespmem:s18+$0xFFFFFFE0]  }
0x38: {  	s15 =	sadd.s32 s15, s16  }
0x39: {  	s18 =	sadd.s32 $0x40, s18;
	[tilespmem:s15+$0x1830 ss:$0x81] =	vst.msk $0xffff, v3  }
.Ltmp4:
0x3a: {  	_ = 	snop;
	(pc) =	sbr.rel .LBB1_4-.Ltmp4, $1  }
0x3b: {  	_ =	sdelay $0x3  }
.LBB1_6:
0x3c: {  	_ =	sfence.sel $0x180000  }
0x3d: {  	s2 =	simm.s32 $0x1;
	[bflag:$0x0] =	sbarrier.arrive $0xFFFF  }
0x3e: {  	s31 =	simm.s32 $0x2;
	[sflag:s2] =	ssyncpa.u1 $0x1  }
0x3f: {  	[sflag:s31] =	ssyncpa.u1 $0x1  }
0x40: {  	p0 =	sne.s32 s0, $0x0;
	_ =	strace $0x9000004A  }
0x41: {  	s0 =	sadd.s32 @!p0 $0x100000, s1;
	[bflag:$0x2] =	sbarrier.arrive $0xFFFF  }
0x42: {  	[sflag:s0] =	ssyncadd.tile.s32 @!p0 $0x1;
	_ =	shalt  }
.Lfunc_end1:
_tile_overlayer_lowered:
.L_overlay_start_2:
0x43: {  	(tag) =	ssettag $0x2  }
0x44: {  	s0 =	rddreg [dreg:$0x0];
	s2 =	stileid.u32  }
0x45: {  	s1 =	rddreg [dreg:$0x1];
	p0 =	sne.s32 s2, $0x0  }
0x46: {  	s3 =	rddreg [dreg:$0x2];
	[bflag:$0x3] =	sbarrier.arrive $0xFFFF;
	s2 =	simm.s32 @!p0 $0x1C01  }
0x47: {  	[timem:s3], [sflag:s2] =	dma.local @!p0 [hbm:s0], s1  }
0x48: {  	s0 =	simm.s32 @!p0 $0x1  }
0x49: {  	_ =	swait.ge @!p0 [sflag:s0], s1  }
0x4a: {  	s1 =	ssub.s32 @!p0 $0x0, s1;
	[sflag:s0] =	ssyncset.done @!p0 $0x0  }
0x4b: {  	[sflag:s0] =	ssyncadd.s32 @!p0 s1  }
0x4c: {  	[bflag:$0x3] =	sbarrier.arrive $0xFFFF  }
0x4d: {  	_ =	shalt  }

</sc_bundles>
